<compile_context>
chip_gen: v7x
topology: tpu7x:2x2x1
jax: 0.10.2.dev20260603
libtpu: 0.0.44.dev20260713+nightly
codegen_flags: <defaults>
</compile_context>

<pallas_src>
import functools

import jax
import jax.numpy as jnp
from jax import lax
from jax.experimental import pallas as pl
from jax.experimental.pallas import tpu as pltpu
from jax.experimental.pallas import tpu_sc as plsc

N_NODES = 10000
D_FEAT = 128
N_EDGES = 320000

NC = 2
NS = 16
NW = NC * NS

EDGE_B = 128
N_BATCH = N_EDGES // EDGE_B
BATCH_PER_W = -(-N_BATCH // NW)

ROW_CHUNK = 80
N_CHUNK = N_NODES // ROW_CHUNK
CHUNK_PER_S = -(-N_CHUNK // NS)


def _sc_partial(x, edge_index):
    mesh = plsc.VectorSubcoreMesh(core_axis_name="c", subcore_axis_name="s")

    scratch = dict(
        rows=pltpu.VMEM((EDGE_B, D_FEAT), jnp.float32),
        rows2=pltpu.VMEM((EDGE_B, D_FEAT), jnp.float32),
        acc=pltpu.VMEM_SHARED((N_NODES, D_FEAT), jnp.float32),
        gsem=pltpu.SemaphoreType.DMA,
        gsem2=pltpu.SemaphoreType.DMA,
        ssem=pltpu.SemaphoreType.DMA,
        ssem2=pltpu.SemaphoreType.DMA,
    )
    for par in "AB":
        for b in range(2):
            scratch[f"sidx{b}{par}"] = pltpu.VMEM((EDGE_B,), jnp.int32)
            scratch[f"didx{b}{par}"] = pltpu.VMEM((EDGE_B,), jnp.int32)
            scratch[f"issem{b}{par}"] = pltpu.SemaphoreType.DMA
            scratch[f"idsem{b}{par}"] = pltpu.SemaphoreType.DMA

    @functools.partial(
        pl.kernel,
        out_type=jax.ShapeDtypeStruct((NC, N_NODES, D_FEAT), jnp.float32),
        mesh=mesh,
        scratch_types=scratch,
    )
    def kern(x_hbm, ei_hbm, part_hbm, *, rows, rows2, acc,
             gsem, gsem2, ssem, ssem2, **ibufs):
        c = lax.axis_index("c")
        s = lax.axis_index("s")
        w = c * NS + s
        lim = jnp.minimum((w + 1) * BATCH_PER_W, N_BATCH)
        rowbuf = [rows, rows2]
        rsem = [gsem, gsem2]
        wsem = [ssem, ssem2]

        def idx_fire(t, par):
            for b in range(2):
                bid = w * BATCH_PER_W + 2 * t + b

                @pl.when(bid < lim)
                def _():
                    base = bid * EDGE_B
                    pltpu.async_copy(ei_hbm.at[0, pl.ds(base, EDGE_B)],
                                     ibufs[f"sidx{b}{par}"],
                                     ibufs[f"issem{b}{par}"])
                    pltpu.async_copy(ei_hbm.at[1, pl.ds(base, EDGE_B)],
                                     ibufs[f"didx{b}{par}"],
                                     ibufs[f"idsem{b}{par}"])

        def idx_wait(t, par):
            for b in range(2):
                bid = w * BATCH_PER_W + 2 * t + b

                @pl.when(bid < lim)
                def _():
                    pltpu.make_async_copy(ei_hbm.at[0, pl.ds(0, EDGE_B)],
                                          ibufs[f"sidx{b}{par}"],
                                          ibufs[f"issem{b}{par}"]).wait()
                    pltpu.make_async_copy(ei_hbm.at[1, pl.ds(0, EDGE_B)],
                                          ibufs[f"didx{b}{par}"],
                                          ibufs[f"idsem{b}{par}"]).wait()

        def scat_drain(t):
            for b in range(2):
                bid = w * BATCH_PER_W + 2 * t + b

                @pl.when((t >= 0) & (bid < lim))
                def _():
                    pltpu.make_async_copy(x_hbm.at[pl.ds(0, EDGE_B), :],
                                          rowbuf[b], wsem[b]).wait()

        idx_fire(0, "A")

        zero = jnp.zeros((16,), jnp.float32)

        def zrow(r, _):
            def zcol(k, _):
                rows[r, pl.ds(k * 16, 16)] = zero
                return 0
            return lax.fori_loop(0, D_FEAT // 16, zcol, 0)

        lax.fori_loop(0, ROW_CHUNK, zrow, 0)

        def zchunk(i, _):
            ch = s + i * NS

            @pl.when(ch < N_CHUNK)
            def _():
                pltpu.async_copy(rows.at[pl.ds(0, ROW_CHUNK), :],
                                 acc.at[pl.ds(ch * ROW_CHUNK, ROW_CHUNK), :],
                                 ssem)
            return 0

        lax.fori_loop(0, CHUNK_PER_S, zchunk, 0)

        def zdrain(i, _):
            ch = s + i * NS

            @pl.when(ch < N_CHUNK)
            def _():
                pltpu.make_async_copy(rows.at[pl.ds(0, ROW_CHUNK), :],
                                      acc.at[pl.ds(0, ROW_CHUNK), :],
                                      ssem).wait()
            return 0

        lax.fori_loop(0, CHUNK_PER_S, zdrain, 0)
        plsc.subcore_barrier()

        def pair(t, par, nxt):
            scat_drain(t - 1)
            idx_wait(t, par)
            idx_fire(t + 1, nxt)
            gets = []
            for b in range(2):
                bid = w * BATCH_PER_W + 2 * t + b

                @pl.when(bid < lim)
                def _():
                    pltpu.async_copy(x_hbm.at[ibufs[f"sidx{b}{par}"]],
                                     rowbuf[b], rsem[b])
            for b in range(2):
                bid = w * BATCH_PER_W + 2 * t + b

                @pl.when(bid < lim)
                def _():
                    pltpu.make_async_copy(x_hbm.at[pl.ds(0, EDGE_B), :],
                                          rowbuf[b], rsem[b]).wait()
                    pltpu.async_copy(rowbuf[b], acc.at[ibufs[f"didx{b}{par}"]],
                                     wsem[b], add=True)

        n_pair = (BATCH_PER_W + 1) // 2

        def quad(q, _):
            pair(2 * q, "A", "B")
            pair(2 * q + 1, "B", "A")
            return 0

        lax.fori_loop(0, n_pair // 2, quad, 0)
        scat_drain(n_pair - 1)
        plsc.subcore_barrier()

        def wchunk(i, _):
            ch = s + i * NS

            @pl.when(ch < N_CHUNK)
            def _():
                r0 = ch * ROW_CHUNK
                pltpu.async_copy(
                    acc.at[pl.ds(r0, ROW_CHUNK), :],
                    part_hbm.at[c, pl.ds(r0, ROW_CHUNK), :],
                    ssem,
                )
            return 0

        lax.fori_loop(0, CHUNK_PER_S, wchunk, 0)

        def wdrain(i, _):
            ch = s + i * NS

            @pl.when(ch < N_CHUNK)
            def _():
                pltpu.make_async_copy(
                    acc.at[pl.ds(0, ROW_CHUNK), :],
                    part_hbm.at[c, pl.ds(0, ROW_CHUNK), :],
                    ssem,
                ).wait()
            return 0

        lax.fori_loop(0, CHUNK_PER_S, wdrain, 0)

    return kern(x, edge_index)


def _combine(parts):
    blk = 10000

    def body(p_ref, o_ref):
        o_ref[...] = p_ref[0] + p_ref[1]

    return pl.pallas_call(
        body,
        grid=(N_NODES // blk,),
        in_specs=[pl.BlockSpec((NC, blk, D_FEAT), lambda i: (0, i, 0))],
        out_specs=pl.BlockSpec((blk, D_FEAT), lambda i: (i, 0)),
        out_shape=jax.ShapeDtypeStruct((N_NODES, D_FEAT), jnp.float32),
    )(parts)


def kernel(x, edge_index):
    ei = edge_index.astype(jnp.int32)
    parts = _sc_partial(x, ei)
    return _combine(parts)

# --- scband reference (transcript-rebuilt; emitter-appended) ---
"""Pipeline reference for scband-message-passing-44427141710055 (READ-ONLY COPY).

The authoritative reference and input builder live on the scoring server;
editing this copy changes nothing except your own understanding.
"""

import jax, jax.numpy as jnp
import numpy as np

N_NODES = 10000
D_FEAT = 128
N_EDGES = 320000


def setup_inputs(seed: int = 0) -> dict:
    key = jax.random.key(seed)
    k_x, k_e = jax.random.split(key)
    x = jax.random.normal(k_x, (N_NODES, D_FEAT), dtype=jnp.float32)
    edge_index = jax.random.randint(k_e, (2, N_EDGES), 0, N_NODES, dtype=jnp.int64 if jax.config.jax_enable_x64 else jnp.int32)
    return {"x": x, "edge_index": edge_index}


def reference(x, edge_index):
    # MessagePassing base class with aggr='add', flow='source_to_target':
    #   message(x_j) = x_j  (identity message)
    #   aggregate: scatter-add of messages into destination nodes
    #   update: identity
    # flow='source_to_target' => j = edge_index[0] (source), i = edge_index[1] (target)
    src = edge_index[0]
    dst = edge_index[1]
    # gather: x_j = x.index_select(node_dim=0, edge_index[j])
    msgs = jnp.take(x, src, axis=0)
    # scatter-add over destination index with dim_size = N
    out = jax.ops.segment_sum(msgs, dst, num_segments=x.shape[0])
    return out

if __name__ == "__main__":
    import jax
    _d = setup_inputs()
    print(jax.jit(kernel)(*tuple(_d.values())))

</pallas_src>

<mosaic_0001>
#map = affine_map<(d0, d1) -> (0, 0)>
#map1 = affine_map<(d0, d1) -> (0, 0, 0)>
module attributes {stable_mosaic.version = 14 : i64} {
  func.func @kern(%arg0: i32, %arg1: i32, %arg2: memref<10000x128xf32, #tpu.memory_space<hbm>>, %arg3: memref<2x320000xi32, #tpu.memory_space<hbm>>, %arg4: memref<2x10000x128xf32, #tpu.memory_space<hbm>>, %arg5: memref<10000x128xf32, #tpu.memory_space<vmem_shared>>, %arg6: memref<128xi32, #tpu.memory_space<vmem>>, %arg7: memref<128xi32, #tpu.memory_space<vmem>>, %arg8: memref<128xi32, #tpu.memory_space<vmem>>, %arg9: memref<128xi32, #tpu.memory_space<vmem>>, %arg10: memref<!tpu.dma_semaphore, #tpu.memory_space<semaphore_mem>>, %arg11: memref<!tpu.dma_semaphore, #tpu.memory_space<semaphore_mem>>, %arg12: memref<!tpu.dma_semaphore, #tpu.memory_space<semaphore_mem>>, %arg13: memref<!tpu.dma_semaphore, #tpu.memory_space<semaphore_mem>>, %arg14: memref<!tpu.dma_semaphore, #tpu.memory_space<semaphore_mem>>, %arg15: memref<!tpu.dma_semaphore, #tpu.memory_space<semaphore_mem>>, %arg16: memref<!tpu.dma_semaphore, #tpu.memory_space<semaphore_mem>>, %arg17: memref<!tpu.dma_semaphore, #tpu.memory_space<semaphore_mem>>, %arg18: memref<!tpu.dma_semaphore, #tpu.memory_space<semaphore_mem>>, %arg19: memref<!tpu.dma_semaphore, #tpu.memory_space<semaphore_mem>>, %arg20: memref<128x128xf32, #tpu.memory_space<vmem>>, %arg21: memref<128x128xf32, #tpu.memory_space<vmem>>, %arg22: memref<128xi32, #tpu.memory_space<vmem>>, %arg23: memref<128xi32, #tpu.memory_space<vmem>>, %arg24: memref<128xi32, #tpu.memory_space<vmem>>, %arg25: memref<128xi32, #tpu.memory_space<vmem>>, %arg26: memref<!tpu.dma_semaphore, #tpu.memory_space<semaphore_mem>>, %arg27: memref<!tpu.dma_semaphore, #tpu.memory_space<semaphore_mem>>) attributes {dimension_semantics = [#tpu.dimension_semantics<core_parallel>, #tpu.dimension_semantics<subcore_parallel>], iteration_bounds = array<i64: 2, 16>, scalar_prefetch = 0 : i64, scratch_operands = 23 : i64, tpu.core_type = #tpu.core_type<sc_vector_subcore>, window_params = [{transform_indices = #map}, {transform_indices = #map}, {transform_indices = #map1}]} {
    %mul3A = arith.constant 16 : i32
    %mul3A_0 = arith.muli %arg0, %mul3A : i32
    %add3A = arith.addi %mul3A_0, %arg1 : i32
    %add3A_1 = arith.constant 1 : i32
    %add3A_2 = arith.addi %add3A, %add3A_1 : i32
    %mul3A_3 = arith.constant 79 : i32
    %mul3A_4 = arith.muli %add3A_2, %mul3A_3 : i32
    %min3A = arith.constant 2500 : i32
    %min3A_5 = arith.minsi %mul3A_4, %min3A : i32
    %mul3A_6 = arith.constant 79 : i32
    %mul3A_7 = arith.muli %add3A, %mul3A_6 : i32
    %add3A_8 = arith.constant 0 : i32
    %add3A_9 = arith.addi %mul3A_7, %add3A_8 : i32
    %add3A_10 = arith.constant 0 : i32
    %add3A_11 = arith.addi %add3A_9, %add3A_10 : i32
    %lt3A = arith.cmpi slt, %add3A_11, %min3A_5 : i32
    %convert_element_type3A = arith.extui %lt3A : i1 to i32
    %cond3A = arith.constant 0 : i32
    %cond3A_12 = arith.cmpi ne, %convert_element_type3A, %cond3A : i32
    scf.if %cond3A_12 {
      %mul3A_89 = arith.constant 128 : i32
      %mul3A_90 = arith.muli %add3A_11, %mul3A_89 : i32
      %dma_start3A = arith.constant 0 : i32
      %dma_start3A_91 = tpu.memref_slice %arg3[%dma_start3A, %mul3A_90] : memref<2x320000xi32, #tpu.memory_space<hbm>> -> memref<1x128xi32, #tpu.memory_space<hbm>>
      %dma_start3A_92 = tpu.memref_squeeze %dma_start3A_91 : memref<1x128xi32, #tpu.memory_space<hbm>> -> memref<128xi32, #tpu.memory_space<hbm>>
      %dma_start3A_93 = tpu.memref_slice %arg3[%dma_start3A, %mul3A_90] : memref<2x320000xi32, #tpu.memory_space<hbm>> -> memref<1x128xi32, #tpu.memory_space<hbm>>
      %dma_start3A_94 = tpu.memref_squeeze %dma_start3A_93 : memref<1x128xi32, #tpu.memory_space<hbm>> -> memref<128xi32, #tpu.memory_space<hbm>>
      tpu.enqueue_dma source(%dma_start3A_94 : memref<128xi32, #tpu.memory_space<hbm>>) target(%arg22 : memref<128xi32, #tpu.memory_space<vmem>>) target_semaphore(%arg16 : memref<!tpu.dma_semaphore, #tpu.memory_space<semaphore_mem>>)
      %dma_start3A_95 = arith.constant 1 : i32
      %dma_start3A_96 = tpu.memref_slice %arg3[%dma_start3A_95, %mul3A_90] : memref<2x320000xi32, #tpu.memory_space<hbm>> -> memref<1x128xi32, #tpu.memory_space<hbm>>
      %dma_start3A_97 = tpu.memref_squeeze %dma_start3A_96 : memref<1x128xi32, #tpu.memory_space<hbm>> -> memref<128xi32, #tpu.memory_space<hbm>>
      %dma_start3A_98 = tpu.memref_slice %arg3[%dma_start3A_95, %mul3A_90] : memref<2x320000xi32, #tpu.memory_space<hbm>> -> memref<1x128xi32, #tpu.memory_space<hbm>>
      %dma_start3A_99 = tpu.memref_squeeze %dma_start3A_98 : memref<1x128xi32, #tpu.memory_space<hbm>> -> memref<128xi32, #tpu.memory_space<hbm>>
      tpu.enqueue_dma source(%dma_start3A_99 : memref<128xi32, #tpu.memory_space<hbm>>) target(%arg6 : memref<128xi32, #tpu.memory_space<vmem>>) target_semaphore(%arg12 : memref<!tpu.dma_semaphore, #tpu.memory_space<semaphore_mem>>)
    } else {
    }
    %mul3A_13 = arith.constant 79 : i32
    %mul3A_14 = arith.muli %add3A, %mul3A_13 : i32
    %add3A_15 = arith.constant 0 : i32
    %add3A_16 = arith.addi %mul3A_14, %add3A_15 : i32
    %add3A_17 = arith.constant 1 : i32
    %add3A_18 = arith.addi %add3A_16, %add3A_17 : i32
    %lt3A_19 = arith.cmpi slt, %add3A_18, %min3A_5 : i32
    %convert_element_type3A_20 = arith.extui %lt3A_19 : i1 to i32
    %cond3A_21 = arith.constant 0 : i32
    %cond3A_22 = arith.cmpi ne, %convert_element_type3A_20, %cond3A_21 : i32
    scf.if %cond3A_22 {
      %mul3A_89 = arith.constant 128 : i32
      %mul3A_90 = arith.muli %add3A_18, %mul3A_89 : i32
      %dma_start3A = arith.constant 0 : i32
      %dma_start3A_91 = tpu.memref_slice %arg3[%dma_start3A, %mul3A_90] : memref<2x320000xi32, #tpu.memory_space<hbm>> -> memref<1x128xi32, #tpu.memory_space<hbm>>
      %dma_start3A_92 = tpu.memref_squeeze %dma_start3A_91 : memref<1x128xi32, #tpu.memory_space<hbm>> -> memref<128xi32, #tpu.memory_space<hbm>>
      %dma_start3A_93 = tpu.memref_slice %arg3[%dma_start3A, %mul3A_90] : memref<2x320000xi32, #tpu.memory_space<hbm>> -> memref<1x128xi32, #tpu.memory_space<hbm>>
      %dma_start3A_94 = tpu.memref_squeeze %dma_start3A_93 : memref<1x128xi32, #tpu.memory_space<hbm>> -> memref<128xi32, #tpu.memory_space<hbm>>
      tpu.enqueue_dma source(%dma_start3A_94 : memref<128xi32, #tpu.memory_space<hbm>>) target(%arg24 : memref<128xi32, #tpu.memory_space<vmem>>) target_semaphore(%arg18 : memref<!tpu.dma_semaphore, #tpu.memory_space<semaphore_mem>>)
      %dma_start3A_95 = arith.constant 1 : i32
      %dma_start3A_96 = tpu.memref_slice %arg3[%dma_start3A_95, %mul3A_90] : memref<2x320000xi32, #tpu.memory_space<hbm>> -> memref<1x128xi32, #tpu.memory_space<hbm>>
      %dma_start3A_97 = tpu.memref_squeeze %dma_start3A_96 : memref<1x128xi32, #tpu.memory_space<hbm>> -> memref<128xi32, #tpu.memory_space<hbm>>
      %dma_start3A_98 = tpu.memref_slice %arg3[%dma_start3A_95, %mul3A_90] : memref<2x320000xi32, #tpu.memory_space<hbm>> -> memref<1x128xi32, #tpu.memory_space<hbm>>
      %dma_start3A_99 = tpu.memref_squeeze %dma_start3A_98 : memref<1x128xi32, #tpu.memory_space<hbm>> -> memref<128xi32, #tpu.memory_space<hbm>>
      tpu.enqueue_dma source(%dma_start3A_99 : memref<128xi32, #tpu.memory_space<hbm>>) target(%arg8 : memref<128xi32, #tpu.memory_space<vmem>>) target_semaphore(%arg14 : memref<!tpu.dma_semaphore, #tpu.memory_space<semaphore_mem>>)
    } else {
    }
    %broadcast_in_dim3A = arith.constant 0.000000e+00 : f32
    %broadcast_in_dim3A_23 = vector.broadcast %broadcast_in_dim3A : f32 to vector<16xf32>
    %scan3A = arith.constant 0 : i32
    %scan3A_24 = arith.constant 0 : i32
    %scan3A_25 = arith.constant 80 : i32
    %scan3A_26 = arith.addi %scan3A_24, %scan3A_25 : i32
    %scan3A_27 = arith.constant 1 : i32
    %scan3A_28 = scf.for %scan3A_89 = %scan3A_24 to %scan3A_26 step %scan3A_27 iter_args(%scan3A_90 = %scan3A) -> (i32)  : i32 {
      %scan3A_91 = arith.constant 0 : i32
      %scan3A_92 = arith.constant 0 : i32
      %scan3A_93 = arith.constant 8 : i32
      %scan3A_94 = arith.addi %scan3A_92, %scan3A_93 : i32
      %scan3A_95 = arith.constant 1 : i32
      %scan3A_96 = scf.for %scan3A_98 = %scan3A_92 to %scan3A_94 step %scan3A_95 iter_args(%scan3A_99 = %scan3A_91) -> (i32)  : i32 {
        %mul3A_100 = arith.constant 16 : i32
        %mul3A_101 = arith.muli %scan3A_98, %mul3A_100 : i32
        %swap3A = arith.index_cast %scan3A_89 : i32 to index
        %swap3A_102 = arith.index_cast %mul3A_101 : i32 to index
        %swap3A_103 = tpu.vector_load %arg20[%swap3A, %swap3A_102] {strides = array<i32>} : memref<128x128xf32, #tpu.memory_space<vmem>>, vector<1x16xf32>,
        %swap3A_104 = vector.shape_cast %swap3A_103 : vector<1x16xf32> to vector<16xf32>
        %swap3A_105 = vector.shape_cast %broadcast_in_dim3A_23 : vector<16xf32> to vector<1x16xf32>
        tpu.vector_store %arg20[%swap3A, %swap3A_102], %swap3A_105 {strides = array<i32>} : memref<128x128xf32, #tpu.memory_space<vmem>>, vector<1x16xf32>,
        %scan3A_106 = arith.constant 0 : i32
        scf.yield %scan3A_106 : i32
      }
      %scan3A_97 = arith.constant 8 : i32
      scf.yield %scan3A_96 : i32
    }
    %scan3A_29 = arith.constant 80 : i32
    %scan3A_30 = arith.constant 0 : i32
    %scan3A_31 = arith.constant 0 : i32
    %scan3A_32 = arith.constant 8 : i32
    %scan3A_33 = arith.addi %scan3A_31, %scan3A_32 : i32
    %scan3A_34 = arith.constant 1 : i32
    %scan3A_35 = scf.for %scan3A_89 = %scan3A_31 to %scan3A_33 step %scan3A_34 iter_args(%scan3A_90 = %scan3A_30) -> (i32)  : i32 {
      %mul3A_91 = arith.constant 16 : i32
      %mul3A_92 = arith.muli %scan3A_89, %mul3A_91 : i32
      %add3A_93 = arith.addi %arg1, %mul3A_92 : i32
      %lt3A_94 = arith.constant 125 : i32
      %lt3A_95 = arith.cmpi slt, %add3A_93, %lt3A_94 : i32
      %convert_element_type3A_96 = arith.extui %lt3A_95 : i1 to i32
      %cond3A_97 = arith.constant 0 : i32
      %cond3A_98 = arith.cmpi ne, %convert_element_type3A_96, %cond3A_97 : i32
      scf.if %cond3A_98 {
        %mul3A_100 = arith.constant 80 : i32
        %mul3A_101 = arith.muli %add3A_93, %mul3A_100 : i32
        %dma_start3A = arith.constant 0 : i32
        %dma_start3A_102 = arith.constant 0 : i32
        %dma_start3A_103 = tpu.memref_slice %arg20[%dma_start3A, %dma_start3A_102] : memref<128x128xf32, #tpu.memory_space<vmem>> -> memref<80x128xf32, #tpu.memory_space<vmem>>
        %dma_start3A_104 = arith.constant 0 : i32
        %dma_start3A_105 = tpu.memref_slice %arg5[%mul3A_101, %dma_start3A_104] : memref<10000x128xf32, #tpu.memory_space<vmem_shared>> -> memref<80x128xf32, #tpu.memory_space<vmem_shared>>
        %dma_start3A_106 = arith.constant 0 : i32
        %dma_start3A_107 = tpu.memref_slice %arg5[%mul3A_101, %dma_start3A_106] : memref<10000x128xf32, #tpu.memory_space<vmem_shared>> -> memref<80x128xf32, #tpu.memory_space<vmem_shared>>
        %dma_start3A_108 = arith.constant 0 : i32
        %dma_start3A_109 = arith.constant 0 : i32
        %dma_start3A_110 = tpu.memref_slice %arg20[%dma_start3A_108, %dma_start3A_109] : memref<128x128xf32, #tpu.memory_space<vmem>> -> memref<80x128xf32, #tpu.memory_space<vmem>>
        tpu.enqueue_dma source(%dma_start3A_110 : memref<80x128xf32, #tpu.memory_space<vmem>>) target(%dma_start3A_107 : memref<80x128xf32, #tpu.memory_space<vmem_shared>>) target_semaphore(%arg26 : memref<!tpu.dma_semaphore, #tpu.memory_space<semaphore_mem>>)
      } else {
      }
      %scan3A_99 = arith.constant 0 : i32
      scf.yield %scan3A_99 : i32
    }
    %scan3A_36 = arith.constant 8 : i32
    %scan3A_37 = arith.constant 0 : i32
    %scan3A_38 = arith.constant 0 : i32
    %scan3A_39 = arith.constant 8 : i32
    %scan3A_40 = arith.addi %scan3A_38, %scan3A_39 : i32
    %scan3A_41 = arith.constant 1 : i32
    %scan3A_42 = scf.for %scan3A_89 = %scan3A_38 to %scan3A_40 step %scan3A_41 iter_args(%scan3A_90 = %scan3A_37) -> (i32)  : i32 {
      %mul3A_91 = arith.constant 16 : i32
      %mul3A_92 = arith.muli %scan3A_89, %mul3A_91 : i32
      %add3A_93 = arith.addi %arg1, %mul3A_92 : i32
      %lt3A_94 = arith.constant 125 : i32
      %lt3A_95 = arith.cmpi slt, %add3A_93, %lt3A_94 : i32
      %convert_element_type3A_96 = arith.extui %lt3A_95 : i1 to i32
      %cond3A_97 = arith.constant 0 : i32
      %cond3A_98 = arith.cmpi ne, %convert_element_type3A_96, %cond3A_97 : i32
      scf.if %cond3A_98 {
        %dma_wait3A = arith.constant 0 : i32
        %dma_wait3A_100 = arith.constant 0 : i32
        %dma_wait3A_101 = tpu.memref_slice %arg20[%dma_wait3A, %dma_wait3A_100] : memref<128x128xf32, #tpu.memory_space<vmem>> -> memref<80x128xf32, #tpu.memory_space<vmem>>
        %dma_wait3A_102 = arith.constant 0 : i32
        %dma_wait3A_103 = arith.constant 0 : i32
        %dma_wait3A_104 = tpu.memref_slice %arg5[%dma_wait3A_102, %dma_wait3A_103] : memref<10000x128xf32, #tpu.memory_space<vmem_shared>> -> memref<80x128xf32, #tpu.memory_space<vmem_shared>>
        %dma_wait3A_105 = arith.constant 0 : i32
        %dma_wait3A_106 = arith.constant 0 : i32
        %dma_wait3A_107 = tpu.memref_slice %arg5[%dma_wait3A_105, %dma_wait3A_106] : memref<10000x128xf32, #tpu.memory_space<vmem_shared>> -> memref<80x128xf32, #tpu.memory_space<vmem_shared>>
        %dma_wait3A_108 = arith.constant 0 : i32
        %dma_wait3A_109 = arith.constant 0 : i32
        %dma_wait3A_110 = tpu.memref_slice %arg20[%dma_wait3A_108, %dma_wait3A_109] : memref<128x128xf32, #tpu.memory_space<vmem>> -> memref<80x128xf32, #tpu.memory_space<vmem>>
        tpu.wait_dma2 semaphore(%arg26 : memref<!tpu.dma_semaphore, #tpu.memory_space<semaphore_mem>>) src(%dma_wait3A_110 : memref<80x128xf32, #tpu.memory_space<vmem>>) dst(%dma_wait3A_107 : memref<80x128xf32, #tpu.memory_space<vmem_shared>>)
      } else {
      }
      %scan3A_99 = arith.constant 0 : i32
      scf.yield %scan3A_99 : i32
    }
    %scan3A_43 = arith.constant 8 : i32
    %barrier3A = arith.constant 0 : index
    tpu.barrier barrier_id(%barrier3A)
    %scan3A_44 = arith.constant 0 : i32
    %scan3A_45 = arith.constant 0 : i32
    %scan3A_46 = arith.constant 20 : i32
    %scan3A_47 = arith.addi %scan3A_45, %scan3A_46 : i32
    %scan3A_48 = arith.constant 1 : i32
    %scan3A_49 = scf.for %scan3A_89 = %scan3A_45 to %scan3A_47 step %scan3A_48 iter_args(%scan3A_90 = %scan3A_44) -> (i32)  : i32 {
      %mul3A_91 = arith.constant 2 : i32
      %mul3A_92 = arith.muli %mul3A_91, %scan3A_89 : i32
      %sub3A = arith.constant 1 : i32
      %sub3A_93 = arith.subi %mul3A_92, %sub3A : i32
      %mul3A_94 = arith.constant 79 : i32
      %mul3A_95 = arith.muli %add3A, %mul3A_94 : i32
      %mul3A_96 = arith.constant 2 : i32
      %mul3A_97 = arith.muli %mul3A_96, %sub3A_93 : i32
      %add3A_98 = arith.addi %mul3A_95, %mul3A_97 : i32
      %add3A_99 = arith.constant 0 : i32
      %add3A_100 = arith.addi %add3A_98, %add3A_99 : i32
      %ge3A = arith.constant 0 : i32
      %ge3A_101 = arith.cmpi sge, %sub3A_93, %ge3A : i32
      %lt3A_102 = arith.cmpi slt, %add3A_100, %min3A_5 : i32
      %and3A_103 = arith.andi %ge3A_101, %lt3A_102 : i1
      %convert_element_type3A_104 = arith.extui %and3A_103 : i1 to i32
      %cond3A_105 = arith.constant 0 : i32
      %cond3A_106 = arith.cmpi ne, %convert_element_type3A_104, %cond3A_105 : i32
      scf.if %cond3A_106 {
        %dma_wait3A = arith.constant 0 : i32
        %dma_wait3A_336 = arith.constant 0 : i32
        %dma_wait3A_337 = tpu.memref_slice %arg2[%dma_wait3A, %dma_wait3A_336] : memref<10000x128xf32, #tpu.memory_space<hbm>> -> memref<128x128xf32, #tpu.memory_space<hbm>>
        %dma_wait3A_338 = arith.constant 0 : i32
        %dma_wait3A_339 = arith.constant 0 : i32
        %dma_wait3A_340 = tpu.memref_slice %arg2[%dma_wait3A_338, %dma_wait3A_339] : memref<10000x128xf32, #tpu.memory_space<hbm>> -> memref<128x128xf32, #tpu.memory_space<hbm>>
        tpu.wait_dma2 semaphore(%arg26 : memref<!tpu.dma_semaphore, #tpu.memory_space<semaphore_mem>>) src(%dma_wait3A_340 : memref<128x128xf32, #tpu.memory_space<hbm>>) dst(%arg20 : memref<128x128xf32, #tpu.memory_space<vmem>>)
      } else {
      }
      %mul3A_107 = arith.constant 79 : i32
      %mul3A_108 = arith.muli %add3A, %mul3A_107 : i32
      %mul3A_109 = arith.constant 2 : i32
      %mul3A_110 = arith.muli %mul3A_109, %sub3A_93 : i32
      %add3A_111 = arith.addi %mul3A_108, %mul3A_110 : i32
      %add3A_112 = arith.constant 1 : i32
      %add3A_113 = arith.addi %add3A_111, %add3A_112 : i32
      %ge3A_114 = arith.constant 0 : i32
      %ge3A_115 = arith.cmpi sge, %sub3A_93, %ge3A_114 : i32
      %lt3A_116 = arith.cmpi slt, %add3A_113, %min3A_5 : i32
      %and3A_117 = arith.andi %ge3A_115, %lt3A_116 : i1
      %convert_element_type3A_118 = arith.extui %and3A_117 : i1 to i32
      %cond3A_119 = arith.constant 0 : i32
      %cond3A_120 = arith.cmpi ne, %convert_element_type3A_118, %cond3A_119 : i32
      scf.if %cond3A_120 {
        %dma_wait3A = arith.constant 0 : i32
        %dma_wait3A_336 = arith.constant 0 : i32
        %dma_wait3A_337 = tpu.memref_slice %arg2[%dma_wait3A, %dma_wait3A_336] : memref<10000x128xf32, #tpu.memory_space<hbm>> -> memref<128x128xf32, #tpu.memory_space<hbm>>
        %dma_wait3A_338 = arith.constant 0 : i32
        %dma_wait3A_339 = arith.constant 0 : i32
        %dma_wait3A_340 = tpu.memref_slice %arg2[%dma_wait3A_338, %dma_wait3A_339] : memref<10000x128xf32, #tpu.memory_space<hbm>> -> memref<128x128xf32, #tpu.memory_space<hbm>>
        tpu.wait_dma2 semaphore(%arg27 : memref<!tpu.dma_semaphore, #tpu.memory_space<semaphore_mem>>) src(%dma_wait3A_340 : memref<128x128xf32, #tpu.memory_space<hbm>>) dst(%arg21 : memref<128x128xf32, #tpu.memory_space<vmem>>)
      } else {
      }
      %mul3A_121 = arith.constant 79 : i32
      %mul3A_122 = arith.muli %add3A, %mul3A_121 : i32
      %mul3A_123 = arith.constant 2 : i32
      %mul3A_124 = arith.muli %mul3A_123, %mul3A_92 : i32
      %add3A_125 = arith.addi %mul3A_122, %mul3A_124 : i32
      %add3A_126 = arith.constant 0 : i32
      %add3A_127 = arith.addi %add3A_125, %add3A_126 : i32
      %lt3A_128 = arith.cmpi slt, %add3A_127, %min3A_5 : i32
      %convert_element_type3A_129 = arith.extui %lt3A_128 : i1 to i32
      %cond3A_130 = arith.constant 0 : i32
      %cond3A_131 = arith.cmpi ne, %convert_element_type3A_129, %cond3A_130 : i32
      scf.if %cond3A_131 {
        %dma_wait3A = arith.constant 0 : i32
        %dma_wait3A_336 = arith.constant 0 : i32
        %dma_wait3A_337 = tpu.memref_slice %arg3[%dma_wait3A, %dma_wait3A_336] : memref<2x320000xi32, #tpu.memory_space<hbm>> -> memref<1x128xi32, #tpu.memory_space<hbm>>
        %dma_wait3A_338 = tpu.memref_squeeze %dma_wait3A_337 : memref<1x128xi32, #tpu.memory_space<hbm>> -> memref<128xi32, #tpu.memory_space<hbm>>
        %dma_wait3A_339 = arith.constant 0 : i32
        %dma_wait3A_340 = tpu.memref_slice %arg3[%dma_wait3A, %dma_wait3A_339] : memref<2x320000xi32, #tpu.memory_space<hbm>> -> memref<1x128xi32, #tpu.memory_space<hbm>>
        %dma_wait3A_341 = tpu.memref_squeeze %dma_wait3A_340 : memref<1x128xi32, #tpu.memory_space<hbm>> -> memref<128xi32, #tpu.memory_space<hbm>>
        tpu.wait_dma2 semaphore(%arg16 : memref<!tpu.dma_semaphore, #tpu.memory_space<semaphore_mem>>) src(%dma_wait3A_341 : memref<128xi32, #tpu.memory_space<hbm>>) dst(%arg22 : memref<128xi32, #tpu.memory_space<vmem>>)
        %dma_wait3A_342 = arith.constant 1 : i32
        %dma_wait3A_343 = arith.constant 0 : i32
        %dma_wait3A_344 = tpu.memref_slice %arg3[%dma_wait3A_342, %dma_wait3A_343] : memref<2x320000xi32, #tpu.memory_space<hbm>> -> memref<1x128xi32, #tpu.memory_space<hbm>>
        %dma_wait3A_345 = tpu.memref_squeeze %dma_wait3A_344 : memref<1x128xi32, #tpu.memory_space<hbm>> -> memref<128xi32, #tpu.memory_space<hbm>>
        %dma_wait3A_346 = arith.constant 0 : i32
        %dma_wait3A_347 = tpu.memref_slice %arg3[%dma_wait3A_342, %dma_wait3A_346] : memref<2x320000xi32, #tpu.memory_space<hbm>> -> memref<1x128xi32, #tpu.memory_space<hbm>>
        %dma_wait3A_348 = tpu.memref_squeeze %dma_wait3A_347 : memref<1x128xi32, #tpu.memory_space<hbm>> -> memref<128xi32, #tpu.memory_space<hbm>>
        tpu.wait_dma2 semaphore(%arg12 : memref<!tpu.dma_semaphore, #tpu.memory_space<semaphore_mem>>) src(%dma_wait3A_348 : memref<128xi32, #tpu.memory_space<hbm>>) dst(%arg6 : memref<128xi32, #tpu.memory_space<vmem>>)
      } else {
      }
      %mul3A_132 = arith.constant 79 : i32
      %mul3A_133 = arith.muli %add3A, %mul3A_132 : i32
      %mul3A_134 = arith.constant 2 : i32
      %mul3A_135 = arith.muli %mul3A_134, %mul3A_92 : i32
      %add3A_136 = arith.addi %mul3A_133, %mul3A_135 : i32
      %add3A_137 = arith.constant 1 : i32
      %add3A_138 = arith.addi %add3A_136, %add3A_137 : i32
      %lt3A_139 = arith.cmpi slt, %add3A_138, %min3A_5 : i32
      %convert_element_type3A_140 = arith.extui %lt3A_139 : i1 to i32
      %cond3A_141 = arith.constant 0 : i32
      %cond3A_142 = arith.cmpi ne, %convert_element_type3A_140, %cond3A_141 : i32
      scf.if %cond3A_142 {
        %dma_wait3A = arith.constant 0 : i32
        %dma_wait3A_336 = arith.constant 0 : i32
        %dma_wait3A_337 = tpu.memref_slice %arg3[%dma_wait3A, %dma_wait3A_336] : memref<2x320000xi32, #tpu.memory_space<hbm>> -> memref<1x128xi32, #tpu.memory_space<hbm>>
        %dma_wait3A_338 = tpu.memref_squeeze %dma_wait3A_337 : memref<1x128xi32, #tpu.memory_space<hbm>> -> memref<128xi32, #tpu.memory_space<hbm>>
        %dma_wait3A_339 = arith.constant 0 : i32
        %dma_wait3A_340 = tpu.memref_slice %arg3[%dma_wait3A, %dma_wait3A_339] : memref<2x320000xi32, #tpu.memory_space<hbm>> -> memref<1x128xi32, #tpu.memory_space<hbm>>
        %dma_wait3A_341 = tpu.memref_squeeze %dma_wait3A_340 : memref<1x128xi32, #tpu.memory_space<hbm>> -> memref<128xi32, #tpu.memory_space<hbm>>
        tpu.wait_dma2 semaphore(%arg18 : memref<!tpu.dma_semaphore, #tpu.memory_space<semaphore_mem>>) src(%dma_wait3A_341 : memref<128xi32, #tpu.memory_space<hbm>>) dst(%arg24 : memref<128xi32, #tpu.memory_space<vmem>>)
        %dma_wait3A_342 = arith.constant 1 : i32
        %dma_wait3A_343 = arith.constant 0 : i32
        %dma_wait3A_344 = tpu.memref_slice %arg3[%dma_wait3A_342, %dma_wait3A_343] : memref<2x320000xi32, #tpu.memory_space<hbm>> -> memref<1x128xi32, #tpu.memory_space<hbm>>
        %dma_wait3A_345 = tpu.memref_squeeze %dma_wait3A_344 : memref<1x128xi32, #tpu.memory_space<hbm>> -> memref<128xi32, #tpu.memory_space<hbm>>
        %dma_wait3A_346 = arith.constant 0 : i32
        %dma_wait3A_347 = tpu.memref_slice %arg3[%dma_wait3A_342, %dma_wait3A_346] : memref<2x320000xi32, #tpu.memory_space<hbm>> -> memref<1x128xi32, #tpu.memory_space<hbm>>
        %dma_wait3A_348 = tpu.memref_squeeze %dma_wait3A_347 : memref<1x128xi32, #tpu.memory_space<hbm>> -> memref<128xi32, #tpu.memory_space<hbm>>
        tpu.wait_dma2 semaphore(%arg14 : memref<!tpu.dma_semaphore, #tpu.memory_space<semaphore_mem>>) src(%dma_wait3A_348 : memref<128xi32, #tpu.memory_space<hbm>>) dst(%arg8 : memref<128xi32, #tpu.memory_space<vmem>>)
      } else {
      }
      %add3A_143 = arith.constant 1 : i32
      %add3A_144 = arith.addi %mul3A_92, %add3A_143 : i32
      %mul3A_145 = arith.constant 79 : i32
      %mul3A_146 = arith.muli %add3A, %mul3A_145 : i32
      %mul3A_147 = arith.constant 2 : i32
      %mul3A_148 = arith.muli %mul3A_147, %add3A_144 : i32
      %add3A_149 = arith.addi %mul3A_146, %mul3A_148 : i32
      %add3A_150 = arith.constant 0 : i32
      %add3A_151 = arith.addi %add3A_149, %add3A_150 : i32
      %lt3A_152 = arith.cmpi slt, %add3A_151, %min3A_5 : i32
      %convert_element_type3A_153 = arith.extui %lt3A_152 : i1 to i32
      %cond3A_154 = arith.constant 0 : i32
      %cond3A_155 = arith.cmpi ne, %convert_element_type3A_153, %cond3A_154 : i32
      scf.if %cond3A_155 {
        %mul3A_336 = arith.constant 128 : i32
        %mul3A_337 = arith.muli %add3A_151, %mul3A_336 : i32
        %dma_start3A = arith.constant 0 : i32
        %dma_start3A_338 = tpu.memref_slice %arg3[%dma_start3A, %mul3A_337] : memref<2x320000xi32, #tpu.memory_space<hbm>> -> memref<1x128xi32, #tpu.memory_space<hbm>>
        %dma_start3A_339 = tpu.memref_squeeze %dma_start3A_338 : memref<1x128xi32, #tpu.memory_space<hbm>> -> memref<128xi32, #tpu.memory_space<hbm>>
        %dma_start3A_340 = tpu.memref_slice %arg3[%dma_start3A, %mul3A_337] : memref<2x320000xi32, #tpu.memory_space<hbm>> -> memref<1x128xi32, #tpu.memory_space<hbm>>
        %dma_start3A_341 = tpu.memref_squeeze %dma_start3A_340 : memref<1x128xi32, #tpu.memory_space<hbm>> -> memref<128xi32, #tpu.memory_space<hbm>>
        tpu.enqueue_dma source(%dma_start3A_341 : memref<128xi32, #tpu.memory_space<hbm>>) target(%arg23 : memref<128xi32, #tpu.memory_space<vmem>>) target_semaphore(%arg17 : memref<!tpu.dma_semaphore, #tpu.memory_space<semaphore_mem>>)
        %dma_start3A_342 = arith.constant 1 : i32
        %dma_start3A_343 = tpu.memref_slice %arg3[%dma_start3A_342, %mul3A_337] : memref<2x320000xi32, #tpu.memory_space<hbm>> -> memref<1x128xi32, #tpu.memory_space<hbm>>
        %dma_start3A_344 = tpu.memref_squeeze %dma_start3A_343 : memref<1x128xi32, #tpu.memory_space<hbm>> -> memref<128xi32, #tpu.memory_space<hbm>>
        %dma_start3A_345 = tpu.memref_slice %arg3[%dma_start3A_342, %mul3A_337] : memref<2x320000xi32, #tpu.memory_space<hbm>> -> memref<1x128xi32, #tpu.memory_space<hbm>>
        %dma_start3A_346 = tpu.memref_squeeze %dma_start3A_345 : memref<1x128xi32, #tpu.memory_space<hbm>> -> memref<128xi32, #tpu.memory_space<hbm>>
        tpu.enqueue_dma source(%dma_start3A_346 : memref<128xi32, #tpu.memory_space<hbm>>) target(%arg7 : memref<128xi32, #tpu.memory_space<vmem>>) target_semaphore(%arg13 : memref<!tpu.dma_semaphore, #tpu.memory_space<semaphore_mem>>)
      } else {
      }
      %mul3A_156 = arith.constant 79 : i32
      %mul3A_157 = arith.muli %add3A, %mul3A_156 : i32
      %mul3A_158 = arith.constant 2 : i32
      %mul3A_159 = arith.muli %mul3A_158, %add3A_144 : i32
      %add3A_160 = arith.addi %mul3A_157, %mul3A_159 : i32
      %add3A_161 = arith.constant 1 : i32
      %add3A_162 = arith.addi %add3A_160, %add3A_161 : i32
      %lt3A_163 = arith.cmpi slt, %add3A_162, %min3A_5 : i32
      %convert_element_type3A_164 = arith.extui %lt3A_163 : i1 to i32
      %cond3A_165 = arith.constant 0 : i32
      %cond3A_166 = arith.cmpi ne, %convert_element_type3A_164, %cond3A_165 : i32
      scf.if %cond3A_166 {
        %mul3A_336 = arith.constant 128 : i32
        %mul3A_337 = arith.muli %add3A_162, %mul3A_336 : i32
        %dma_start3A = arith.constant 0 : i32
        %dma_start3A_338 = tpu.memref_slice %arg3[%dma_start3A, %mul3A_337] : memref<2x320000xi32, #tpu.memory_space<hbm>> -> memref<1x128xi32, #tpu.memory_space<hbm>>
        %dma_start3A_339 = tpu.memref_squeeze %dma_start3A_338 : memref<1x128xi32, #tpu.memory_space<hbm>> -> memref<128xi32, #tpu.memory_space<hbm>>
        %dma_start3A_340 = tpu.memref_slice %arg3[%dma_start3A, %mul3A_337] : memref<2x320000xi32, #tpu.memory_space<hbm>> -> memref<1x128xi32, #tpu.memory_space<hbm>>
        %dma_start3A_341 = tpu.memref_squeeze %dma_start3A_340 : memref<1x128xi32, #tpu.memory_space<hbm>> -> memref<128xi32, #tpu.memory_space<hbm>>
        tpu.enqueue_dma source(%dma_start3A_341 : memref<128xi32, #tpu.memory_space<hbm>>) target(%arg25 : memref<128xi32, #tpu.memory_space<vmem>>) target_semaphore(%arg19 : memref<!tpu.dma_semaphore, #tpu.memory_space<semaphore_mem>>)
        %dma_start3A_342 = arith.constant 1 : i32
        %dma_start3A_343 = tpu.memref_slice %arg3[%dma_start3A_342, %mul3A_337] : memref<2x320000xi32, #tpu.memory_space<hbm>> -> memref<1x128xi32, #tpu.memory_space<hbm>>
        %dma_start3A_344 = tpu.memref_squeeze %dma_start3A_343 : memref<1x128xi32, #tpu.memory_space<hbm>> -> memref<128xi32, #tpu.memory_space<hbm>>
        %dma_start3A_345 = tpu.memref_slice %arg3[%dma_start3A_342, %mul3A_337] : memref<2x320000xi32, #tpu.memory_space<hbm>> -> memref<1x128xi32, #tpu.memory_space<hbm>>
        %dma_start3A_346 = tpu.memref_squeeze %dma_start3A_345 : memref<1x128xi32, #tpu.memory_space<hbm>> -> memref<128xi32, #tpu.memory_space<hbm>>
        tpu.enqueue_dma source(%dma_start3A_346 : memref<128xi32, #tpu.memory_space<hbm>>) target(%arg9 : memref<128xi32, #tpu.memory_space<vmem>>) target_semaphore(%arg15 : memref<!tpu.dma_semaphore, #tpu.memory_space<semaphore_mem>>)
      } else {
      }
      %mul3A_167 = arith.constant 79 : i32
      %mul3A_168 = arith.muli %add3A, %mul3A_167 : i32
      %mul3A_169 = arith.constant 2 : i32
      %mul3A_170 = arith.muli %mul3A_169, %mul3A_92 : i32
      %add3A_171 = arith.addi %mul3A_168, %mul3A_170 : i32
      %add3A_172 = arith.constant 0 : i32
      %add3A_173 = arith.addi %add3A_171, %add3A_172 : i32
      %lt3A_174 = arith.cmpi slt, %add3A_173, %min3A_5 : i32
      %convert_element_type3A_175 = arith.extui %lt3A_174 : i1 to i32
      %cond3A_176 = arith.constant 0 : i32
      %cond3A_177 = arith.cmpi ne, %convert_element_type3A_175, %cond3A_176 : i32
      scf.if %cond3A_177 {
        %dma_start3A = arith.constant 0 : i32
        %dma_start3A_336 = arith.constant 0 : i32
        %dma_start3A_337 = tpu.memref_slice %arg2[%dma_start3A, %dma_start3A_336] : memref<10000x128xf32, #tpu.memory_space<hbm>> -> memref<10000x128xf32, #tpu.memory_space<hbm>>
        tpu.enqueue_indirect_dma source(%dma_start3A_337 : memref<10000x128xf32, #tpu.memory_space<hbm>>) target(%arg20 : memref<128x128xf32, #tpu.memory_space<vmem>>) offsets(%arg22 : memref<128xi32, #tpu.memory_space<vmem>>) semaphore(%arg10 : memref<!tpu.dma_semaphore, #tpu.memory_space<semaphore_mem>>)
      } else {
      }
      %mul3A_178 = arith.constant 79 : i32
      %mul3A_179 = arith.muli %add3A, %mul3A_178 : i32
      %mul3A_180 = arith.constant 2 : i32
      %mul3A_181 = arith.muli %mul3A_180, %mul3A_92 : i32
      %add3A_182 = arith.addi %mul3A_179, %mul3A_181 : i32
      %add3A_183 = arith.constant 1 : i32
      %add3A_184 = arith.addi %add3A_182, %add3A_183 : i32
      %lt3A_185 = arith.cmpi slt, %add3A_184, %min3A_5 : i32
      %convert_element_type3A_186 = arith.extui %lt3A_185 : i1 to i32
      %cond3A_187 = arith.constant 0 : i32
      %cond3A_188 = arith.cmpi ne, %convert_element_type3A_186, %cond3A_187 : i32
      scf.if %cond3A_188 {
        %dma_start3A = arith.constant 0 : i32
        %dma_start3A_336 = arith.constant 0 : i32
        %dma_start3A_337 = tpu.memref_slice %arg2[%dma_start3A, %dma_start3A_336] : memref<10000x128xf32, #tpu.memory_space<hbm>> -> memref<10000x128xf32, #tpu.memory_space<hbm>>
        tpu.enqueue_indirect_dma source(%dma_start3A_337 : memref<10000x128xf32, #tpu.memory_space<hbm>>) target(%arg21 : memref<128x128xf32, #tpu.memory_space<vmem>>) offsets(%arg24 : memref<128xi32, #tpu.memory_space<vmem>>) semaphore(%arg11 : memref<!tpu.dma_semaphore, #tpu.memory_space<semaphore_mem>>)
      } else {
      }
      %mul3A_189 = arith.constant 79 : i32
      %mul3A_190 = arith.muli %add3A, %mul3A_189 : i32
      %mul3A_191 = arith.constant 2 : i32
      %mul3A_192 = arith.muli %mul3A_191, %mul3A_92 : i32
      %add3A_193 = arith.addi %mul3A_190, %mul3A_192 : i32
      %add3A_194 = arith.constant 0 : i32
      %add3A_195 = arith.addi %add3A_193, %add3A_194 : i32
      %lt3A_196 = arith.cmpi slt, %add3A_195, %min3A_5 : i32
      %convert_element_type3A_197 = arith.extui %lt3A_196 : i1 to i32
      %cond3A_198 = arith.constant 0 : i32
      %cond3A_199 = arith.cmpi ne, %convert_element_type3A_197, %cond3A_198 : i32
      scf.if %cond3A_199 {
        %dma_wait3A = arith.constant 0 : i32
        %dma_wait3A_336 = arith.constant 0 : i32
        %dma_wait3A_337 = tpu.memref_slice %arg2[%dma_wait3A, %dma_wait3A_336] : memref<10000x128xf32, #tpu.memory_space<hbm>> -> memref<128x128xf32, #tpu.memory_space<hbm>>
        %dma_wait3A_338 = arith.constant 0 : i32
        %dma_wait3A_339 = arith.constant 0 : i32
        %dma_wait3A_340 = tpu.memref_slice %arg2[%dma_wait3A_338, %dma_wait3A_339] : memref<10000x128xf32, #tpu.memory_space<hbm>> -> memref<128x128xf32, #tpu.memory_space<hbm>>
        tpu.wait_dma2 semaphore(%arg10 : memref<!tpu.dma_semaphore, #tpu.memory_space<semaphore_mem>>) src(%dma_wait3A_340 : memref<128x128xf32, #tpu.memory_space<hbm>>) dst(%arg20 : memref<128x128xf32, #tpu.memory_space<vmem>>)
        %dma_start3A = arith.constant 0 : i32
        %dma_start3A_341 = arith.constant 0 : i32
        %dma_start3A_342 = tpu.memref_slice %arg5[%dma_start3A, %dma_start3A_341] : memref<10000x128xf32, #tpu.memory_space<vmem_shared>> -> memref<10000x128xf32, #tpu.memory_space<vmem_shared>>
        tpu.enqueue_indirect_dma source(%arg20 : memref<128x128xf32, #tpu.memory_space<vmem>>) target(%dma_start3A_342 : memref<10000x128xf32, #tpu.memory_space<vmem_shared>>) offsets(%arg6 : memref<128xi32, #tpu.memory_space<vmem>>) semaphore(%arg26 : memref<!tpu.dma_semaphore, #tpu.memory_space<semaphore_mem>>) {add = true}
      } else {
      }
      %mul3A_200 = arith.constant 79 : i32
      %mul3A_201 = arith.muli %add3A, %mul3A_200 : i32
      %mul3A_202 = arith.constant 2 : i32
      %mul3A_203 = arith.muli %mul3A_202, %mul3A_92 : i32
      %add3A_204 = arith.addi %mul3A_201, %mul3A_203 : i32
      %add3A_205 = arith.constant 1 : i32
      %add3A_206 = arith.addi %add3A_204, %add3A_205 : i32
      %lt3A_207 = arith.cmpi slt, %add3A_206, %min3A_5 : i32
      %convert_element_type3A_208 = arith.extui %lt3A_207 : i1 to i32
      %cond3A_209 = arith.constant 0 : i32
      %cond3A_210 = arith.cmpi ne, %convert_element_type3A_208, %cond3A_209 : i32
      scf.if %cond3A_210 {
        %dma_wait3A = arith.constant 0 : i32
        %dma_wait3A_336 = arith.constant 0 : i32
        %dma_wait3A_337 = tpu.memref_slice %arg2[%dma_wait3A, %dma_wait3A_336] : memref<10000x128xf32, #tpu.memory_space<hbm>> -> memref<128x128xf32, #tpu.memory_space<hbm>>
        %dma_wait3A_338 = arith.constant 0 : i32
        %dma_wait3A_339 = arith.constant 0 : i32
        %dma_wait3A_340 = tpu.memref_slice %arg2[%dma_wait3A_338, %dma_wait3A_339] : memref<10000x128xf32, #tpu.memory_space<hbm>> -> memref<128x128xf32, #tpu.memory_space<hbm>>
        tpu.wait_dma2 semaphore(%arg11 : memref<!tpu.dma_semaphore, #tpu.memory_space<semaphore_mem>>) src(%dma_wait3A_340 : memref<128x128xf32, #tpu.memory_space<hbm>>) dst(%arg21 : memref<128x128xf32, #tpu.memory_space<vmem>>)
        %dma_start3A = arith.constant 0 : i32
        %dma_start3A_341 = arith.constant 0 : i32
        %dma_start3A_342 = tpu.memref_slice %arg5[%dma_start3A, %dma_start3A_341] : memref<10000x128xf32, #tpu.memory_space<vmem_shared>> -> memref<10000x128xf32, #tpu.memory_space<vmem_shared>>
        tpu.enqueue_indirect_dma source(%arg21 : memref<128x128xf32, #tpu.memory_space<vmem>>) target(%dma_start3A_342 : memref<10000x128xf32, #tpu.memory_space<vmem_shared>>) offsets(%arg8 : memref<128xi32, #tpu.memory_space<vmem>>) semaphore(%arg27 : memref<!tpu.dma_semaphore, #tpu.memory_space<semaphore_mem>>) {add = true}
      } else {
      }
      %mul3A_211 = arith.constant 2 : i32
      %mul3A_212 = arith.muli %mul3A_211, %scan3A_89 : i32
      %add3A_213 = arith.constant 1 : i32
      %add3A_214 = arith.addi %mul3A_212, %add3A_213 : i32
      %sub3A_215 = arith.constant 1 : i32
      %sub3A_216 = arith.subi %add3A_214, %sub3A_215 : i32
      %mul3A_217 = arith.constant 79 : i32
      %mul3A_218 = arith.muli %add3A, %mul3A_217 : i32
      %mul3A_219 = arith.constant 2 : i32
      %mul3A_220 = arith.muli %mul3A_219, %sub3A_216 : i32
      %add3A_221 = arith.addi %mul3A_218, %mul3A_220 : i32
      %add3A_222 = arith.constant 0 : i32
      %add3A_223 = arith.addi %add3A_221, %add3A_222 : i32
      %ge3A_224 = arith.constant 0 : i32
      %ge3A_225 = arith.cmpi sge, %sub3A_216, %ge3A_224 : i32
      %lt3A_226 = arith.cmpi slt, %add3A_223, %min3A_5 : i32
      %and3A_227 = arith.andi %ge3A_225, %lt3A_226 : i1
      %convert_element_type3A_228 = arith.extui %and3A_227 : i1 to i32
      %cond3A_229 = arith.constant 0 : i32
      %cond3A_230 = arith.cmpi ne, %convert_element_type3A_228, %cond3A_229 : i32
      scf.if %cond3A_230 {
        %dma_wait3A = arith.constant 0 : i32
        %dma_wait3A_336 = arith.constant 0 : i32
        %dma_wait3A_337 = tpu.memref_slice %arg2[%dma_wait3A, %dma_wait3A_336] : memref<10000x128xf32, #tpu.memory_space<hbm>> -> memref<128x128xf32, #tpu.memory_space<hbm>>
        %dma_wait3A_338 = arith.constant 0 : i32
        %dma_wait3A_339 = arith.constant 0 : i32
        %dma_wait3A_340 = tpu.memref_slice %arg2[%dma_wait3A_338, %dma_wait3A_339] : memref<10000x128xf32, #tpu.memory_space<hbm>> -> memref<128x128xf32, #tpu.memory_space<hbm>>
        tpu.wait_dma2 semaphore(%arg26 : memref<!tpu.dma_semaphore, #tpu.memory_space<semaphore_mem>>) src(%dma_wait3A_340 : memref<128x128xf32, #tpu.memory_space<hbm>>) dst(%arg20 : memref<128x128xf32, #tpu.memory_space<vmem>>)
      } else {
      }
      %mul3A_231 = arith.constant 79 : i32
      %mul3A_232 = arith.muli %add3A, %mul3A_231 : i32
      %mul3A_233 = arith.constant 2 : i32
      %mul3A_234 = arith.muli %mul3A_233, %sub3A_216 : i32
      %add3A_235 = arith.addi %mul3A_232, %mul3A_234 : i32
      %add3A_236 = arith.constant 1 : i32
      %add3A_237 = arith.addi %add3A_235, %add3A_236 : i32
      %ge3A_238 = arith.constant 0 : i32
      %ge3A_239 = arith.cmpi sge, %sub3A_216, %ge3A_238 : i32
      %lt3A_240 = arith.cmpi slt, %add3A_237, %min3A_5 : i32
      %and3A_241 = arith.andi %ge3A_239, %lt3A_240 : i1
      %convert_element_type3A_242 = arith.extui %and3A_241 : i1 to i32
      %cond3A_243 = arith.constant 0 : i32
      %cond3A_244 = arith.cmpi ne, %convert_element_type3A_242, %cond3A_243 : i32
      scf.if %cond3A_244 {
        %dma_wait3A = arith.constant 0 : i32
        %dma_wait3A_336 = arith.constant 0 : i32
        %dma_wait3A_337 = tpu.memref_slice %arg2[%dma_wait3A, %dma_wait3A_336] : memref<10000x128xf32, #tpu.memory_space<hbm>> -> memref<128x128xf32, #tpu.memory_space<hbm>>
        %dma_wait3A_338 = arith.constant 0 : i32
        %dma_wait3A_339 = arith.constant 0 : i32
        %dma_wait3A_340 = tpu.memref_slice %arg2[%dma_wait3A_338, %dma_wait3A_339] : memref<10000x128xf32, #tpu.memory_space<hbm>> -> memref<128x128xf32, #tpu.memory_space<hbm>>
        tpu.wait_dma2 semaphore(%arg27 : memref<!tpu.dma_semaphore, #tpu.memory_space<semaphore_mem>>) src(%dma_wait3A_340 : memref<128x128xf32, #tpu.memory_space<hbm>>) dst(%arg21 : memref<128x128xf32, #tpu.memory_space<vmem>>)
      } else {
      }
      %mul3A_245 = arith.constant 79 : i32
      %mul3A_246 = arith.muli %add3A, %mul3A_245 : i32
      %mul3A_247 = arith.constant 2 : i32
      %mul3A_248 = arith.muli %mul3A_247, %add3A_214 : i32
      %add3A_249 = arith.addi %mul3A_246, %mul3A_248 : i32
      %add3A_250 = arith.constant 0 : i32
      %add3A_251 = arith.addi %add3A_249, %add3A_250 : i32
      %lt3A_252 = arith.cmpi slt, %add3A_251, %min3A_5 : i32
      %convert_element_type3A_253 = arith.extui %lt3A_252 : i1 to i32
      %cond3A_254 = arith.constant 0 : i32
      %cond3A_255 = arith.cmpi ne, %convert_element_type3A_253, %cond3A_254 : i32
      scf.if %cond3A_255 {
        %dma_wait3A = arith.constant 0 : i32
        %dma_wait3A_336 = arith.constant 0 : i32
        %dma_wait3A_337 = tpu.memref_slice %arg3[%dma_wait3A, %dma_wait3A_336] : memref<2x320000xi32, #tpu.memory_space<hbm>> -> memref<1x128xi32, #tpu.memory_space<hbm>>
        %dma_wait3A_338 = tpu.memref_squeeze %dma_wait3A_337 : memref<1x128xi32, #tpu.memory_space<hbm>> -> memref<128xi32, #tpu.memory_space<hbm>>
        %dma_wait3A_339 = arith.constant 0 : i32
        %dma_wait3A_340 = tpu.memref_slice %arg3[%dma_wait3A, %dma_wait3A_339] : memref<2x320000xi32, #tpu.memory_space<hbm>> -> memref<1x128xi32, #tpu.memory_space<hbm>>
        %dma_wait3A_341 = tpu.memref_squeeze %dma_wait3A_340 : memref<1x128xi32, #tpu.memory_space<hbm>> -> memref<128xi32, #tpu.memory_space<hbm>>
        tpu.wait_dma2 semaphore(%arg17 : memref<!tpu.dma_semaphore, #tpu.memory_space<semaphore_mem>>) src(%dma_wait3A_341 : memref<128xi32, #tpu.memory_space<hbm>>) dst(%arg23 : memref<128xi32, #tpu.memory_space<vmem>>)
        %dma_wait3A_342 = arith.constant 1 : i32
        %dma_wait3A_343 = arith.constant 0 : i32
        %dma_wait3A_344 = tpu.memref_slice %arg3[%dma_wait3A_342, %dma_wait3A_343] : memref<2x320000xi32, #tpu.memory_space<hbm>> -> memref<1x128xi32, #tpu.memory_space<hbm>>
        %dma_wait3A_345 = tpu.memref_squeeze %dma_wait3A_344 : memref<1x128xi32, #tpu.memory_space<hbm>> -> memref<128xi32, #tpu.memory_space<hbm>>
        %dma_wait3A_346 = arith.constant 0 : i32
        %dma_wait3A_347 = tpu.memref_slice %arg3[%dma_wait3A_342, %dma_wait3A_346] : memref<2x320000xi32, #tpu.memory_space<hbm>> -> memref<1x128xi32, #tpu.memory_space<hbm>>
        %dma_wait3A_348 = tpu.memref_squeeze %dma_wait3A_347 : memref<1x128xi32, #tpu.memory_space<hbm>> -> memref<128xi32, #tpu.memory_space<hbm>>
        tpu.wait_dma2 semaphore(%arg13 : memref<!tpu.dma_semaphore, #tpu.memory_space<semaphore_mem>>) src(%dma_wait3A_348 : memref<128xi32, #tpu.memory_space<hbm>>) dst(%arg7 : memref<128xi32, #tpu.memory_space<vmem>>)
      } else {
      }
      %mul3A_256 = arith.constant 79 : i32
      %mul3A_257 = arith.muli %add3A, %mul3A_256 : i32
      %mul3A_258 = arith.constant 2 : i32
      %mul3A_259 = arith.muli %mul3A_258, %add3A_214 : i32
      %add3A_260 = arith.addi %mul3A_257, %mul3A_259 : i32
      %add3A_261 = arith.constant 1 : i32
      %add3A_262 = arith.addi %add3A_260, %add3A_261 : i32
      %lt3A_263 = arith.cmpi slt, %add3A_262, %min3A_5 : i32
      %convert_element_type3A_264 = arith.extui %lt3A_263 : i1 to i32
      %cond3A_265 = arith.constant 0 : i32
      %cond3A_266 = arith.cmpi ne, %convert_element_type3A_264, %cond3A_265 : i32
      scf.if %cond3A_266 {
        %dma_wait3A = arith.constant 0 : i32
        %dma_wait3A_336 = arith.constant 0 : i32
        %dma_wait3A_337 = tpu.memref_slice %arg3[%dma_wait3A, %dma_wait3A_336] : memref<2x320000xi32, #tpu.memory_space<hbm>> -> memref<1x128xi32, #tpu.memory_space<hbm>>
        %dma_wait3A_338 = tpu.memref_squeeze %dma_wait3A_337 : memref<1x128xi32, #tpu.memory_space<hbm>> -> memref<128xi32, #tpu.memory_space<hbm>>
        %dma_wait3A_339 = arith.constant 0 : i32
        %dma_wait3A_340 = tpu.memref_slice %arg3[%dma_wait3A, %dma_wait3A_339] : memref<2x320000xi32, #tpu.memory_space<hbm>> -> memref<1x128xi32, #tpu.memory_space<hbm>>
        %dma_wait3A_341 = tpu.memref_squeeze %dma_wait3A_340 : memref<1x128xi32, #tpu.memory_space<hbm>> -> memref<128xi32, #tpu.memory_space<hbm>>
        tpu.wait_dma2 semaphore(%arg19 : memref<!tpu.dma_semaphore, #tpu.memory_space<semaphore_mem>>) src(%dma_wait3A_341 : memref<128xi32, #tpu.memory_space<hbm>>) dst(%arg25 : memref<128xi32, #tpu.memory_space<vmem>>)
        %dma_wait3A_342 = arith.constant 1 : i32
        %dma_wait3A_343 = arith.constant 0 : i32
        %dma_wait3A_344 = tpu.memref_slice %arg3[%dma_wait3A_342, %dma_wait3A_343] : memref<2x320000xi32, #tpu.memory_space<hbm>> -> memref<1x128xi32, #tpu.memory_space<hbm>>
        %dma_wait3A_345 = tpu.memref_squeeze %dma_wait3A_344 : memref<1x128xi32, #tpu.memory_space<hbm>> -> memref<128xi32, #tpu.memory_space<hbm>>
        %dma_wait3A_346 = arith.constant 0 : i32
        %dma_wait3A_347 = tpu.memref_slice %arg3[%dma_wait3A_342, %dma_wait3A_346] : memref<2x320000xi32, #tpu.memory_space<hbm>> -> memref<1x128xi32, #tpu.memory_space<hbm>>
        %dma_wait3A_348 = tpu.memref_squeeze %dma_wait3A_347 : memref<1x128xi32, #tpu.memory_space<hbm>> -> memref<128xi32, #tpu.memory_space<hbm>>
        tpu.wait_dma2 semaphore(%arg15 : memref<!tpu.dma_semaphore, #tpu.memory_space<semaphore_mem>>) src(%dma_wait3A_348 : memref<128xi32, #tpu.memory_space<hbm>>) dst(%arg9 : memref<128xi32, #tpu.memory_space<vmem>>)
      } else {
      }
      %add3A_267 = arith.constant 1 : i32
      %add3A_268 = arith.addi %add3A_214, %add3A_267 : i32
      %mul3A_269 = arith.constant 79 : i32
      %mul3A_270 = arith.muli %add3A, %mul3A_269 : i32
      %mul3A_271 = arith.constant 2 : i32
      %mul3A_272 = arith.muli %mul3A_271, %add3A_268 : i32
      %add3A_273 = arith.addi %mul3A_270, %mul3A_272 : i32
      %add3A_274 = arith.constant 0 : i32
      %add3A_275 = arith.addi %add3A_273, %add3A_274 : i32
      %lt3A_276 = arith.cmpi slt, %add3A_275, %min3A_5 : i32
      %convert_element_type3A_277 = arith.extui %lt3A_276 : i1 to i32
      %cond3A_278 = arith.constant 0 : i32
      %cond3A_279 = arith.cmpi ne, %convert_element_type3A_277, %cond3A_278 : i32
      scf.if %cond3A_279 {
        %mul3A_336 = arith.constant 128 : i32
        %mul3A_337 = arith.muli %add3A_275, %mul3A_336 : i32
        %dma_start3A = arith.constant 0 : i32
        %dma_start3A_338 = tpu.memref_slice %arg3[%dma_start3A, %mul3A_337] : memref<2x320000xi32, #tpu.memory_space<hbm>> -> memref<1x128xi32, #tpu.memory_space<hbm>>
        %dma_start3A_339 = tpu.memref_squeeze %dma_start3A_338 : memref<1x128xi32, #tpu.memory_space<hbm>> -> memref<128xi32, #tpu.memory_space<hbm>>
        %dma_start3A_340 = tpu.memref_slice %arg3[%dma_start3A, %mul3A_337] : memref<2x320000xi32, #tpu.memory_space<hbm>> -> memref<1x128xi32, #tpu.memory_space<hbm>>
        %dma_start3A_341 = tpu.memref_squeeze %dma_start3A_340 : memref<1x128xi32, #tpu.memory_space<hbm>> -> memref<128xi32, #tpu.memory_space<hbm>>
        tpu.enqueue_dma source(%dma_start3A_341 : memref<128xi32, #tpu.memory_space<hbm>>) target(%arg22 : memref<128xi32, #tpu.memory_space<vmem>>) target_semaphore(%arg16 : memref<!tpu.dma_semaphore, #tpu.memory_space<semaphore_mem>>)
        %dma_start3A_342 = arith.constant 1 : i32
        %dma_start3A_343 = tpu.memref_slice %arg3[%dma_start3A_342, %mul3A_337] : memref<2x320000xi32, #tpu.memory_space<hbm>> -> memref<1x128xi32, #tpu.memory_space<hbm>>
        %dma_start3A_344 = tpu.memref_squeeze %dma_start3A_343 : memref<1x128xi32, #tpu.memory_space<hbm>> -> memref<128xi32, #tpu.memory_space<hbm>>
        %dma_start3A_345 = tpu.memref_slice %arg3[%dma_start3A_342, %mul3A_337] : memref<2x320000xi32, #tpu.memory_space<hbm>> -> memref<1x128xi32, #tpu.memory_space<hbm>>
        %dma_start3A_346 = tpu.memref_squeeze %dma_start3A_345 : memref<1x128xi32, #tpu.memory_space<hbm>> -> memref<128xi32, #tpu.memory_space<hbm>>
        tpu.enqueue_dma source(%dma_start3A_346 : memref<128xi32, #tpu.memory_space<hbm>>) target(%arg6 : memref<128xi32, #tpu.memory_space<vmem>>) target_semaphore(%arg12 : memref<!tpu.dma_semaphore, #tpu.memory_space<semaphore_mem>>)
      } else {
      }
      %mul3A_280 = arith.constant 79 : i32
      %mul3A_281 = arith.muli %add3A, %mul3A_280 : i32
      %mul3A_282 = arith.constant 2 : i32
      %mul3A_283 = arith.muli %mul3A_282, %add3A_268 : i32
      %add3A_284 = arith.addi %mul3A_281, %mul3A_283 : i32
      %add3A_285 = arith.constant 1 : i32
      %add3A_286 = arith.addi %add3A_284, %add3A_285 : i32
      %lt3A_287 = arith.cmpi slt, %add3A_286, %min3A_5 : i32
      %convert_element_type3A_288 = arith.extui %lt3A_287 : i1 to i32
      %cond3A_289 = arith.constant 0 : i32
      %cond3A_290 = arith.cmpi ne, %convert_element_type3A_288, %cond3A_289 : i32
      scf.if %cond3A_290 {
        %mul3A_336 = arith.constant 128 : i32
        %mul3A_337 = arith.muli %add3A_286, %mul3A_336 : i32
        %dma_start3A = arith.constant 0 : i32
        %dma_start3A_338 = tpu.memref_slice %arg3[%dma_start3A, %mul3A_337] : memref<2x320000xi32, #tpu.memory_space<hbm>> -> memref<1x128xi32, #tpu.memory_space<hbm>>
        %dma_start3A_339 = tpu.memref_squeeze %dma_start3A_338 : memref<1x128xi32, #tpu.memory_space<hbm>> -> memref<128xi32, #tpu.memory_space<hbm>>
        %dma_start3A_340 = tpu.memref_slice %arg3[%dma_start3A, %mul3A_337] : memref<2x320000xi32, #tpu.memory_space<hbm>> -> memref<1x128xi32, #tpu.memory_space<hbm>>
        %dma_start3A_341 = tpu.memref_squeeze %dma_start3A_340 : memref<1x128xi32, #tpu.memory_space<hbm>> -> memref<128xi32, #tpu.memory_space<hbm>>
        tpu.enqueue_dma source(%dma_start3A_341 : memref<128xi32, #tpu.memory_space<hbm>>) target(%arg24 : memref<128xi32, #tpu.memory_space<vmem>>) target_semaphore(%arg18 : memref<!tpu.dma_semaphore, #tpu.memory_space<semaphore_mem>>)
        %dma_start3A_342 = arith.constant 1 : i32
        %dma_start3A_343 = tpu.memref_slice %arg3[%dma_start3A_342, %mul3A_337] : memref<2x320000xi32, #tpu.memory_space<hbm>> -> memref<1x128xi32, #tpu.memory_space<hbm>>
        %dma_start3A_344 = tpu.memref_squeeze %dma_start3A_343 : memref<1x128xi32, #tpu.memory_space<hbm>> -> memref<128xi32, #tpu.memory_space<hbm>>
        %dma_start3A_345 = tpu.memref_slice %arg3[%dma_start3A_342, %mul3A_337] : memref<2x320000xi32, #tpu.memory_space<hbm>> -> memref<1x128xi32, #tpu.memory_space<hbm>>
        %dma_start3A_346 = tpu.memref_squeeze %dma_start3A_345 : memref<1x128xi32, #tpu.memory_space<hbm>> -> memref<128xi32, #tpu.memory_space<hbm>>
        tpu.enqueue_dma source(%dma_start3A_346 : memref<128xi32, #tpu.memory_space<hbm>>) target(%arg8 : memref<128xi32, #tpu.memory_space<vmem>>) target_semaphore(%arg14 : memref<!tpu.dma_semaphore, #tpu.memory_space<semaphore_mem>>)
      } else {
      }
      %mul3A_291 = arith.constant 79 : i32
      %mul3A_292 = arith.muli %add3A, %mul3A_291 : i32
      %mul3A_293 = arith.constant 2 : i32
      %mul3A_294 = arith.muli %mul3A_293, %add3A_214 : i32
      %add3A_295 = arith.addi %mul3A_292, %mul3A_294 : i32
      %add3A_296 = arith.constant 0 : i32
      %add3A_297 = arith.addi %add3A_295, %add3A_296 : i32
      %lt3A_298 = arith.cmpi slt, %add3A_297, %min3A_5 : i32
      %convert_element_type3A_299 = arith.extui %lt3A_298 : i1 to i32
      %cond3A_300 = arith.constant 0 : i32
      %cond3A_301 = arith.cmpi ne, %convert_element_type3A_299, %cond3A_300 : i32
      scf.if %cond3A_301 {
        %dma_start3A = arith.constant 0 : i32
        %dma_start3A_336 = arith.constant 0 : i32
        %dma_start3A_337 = tpu.memref_slice %arg2[%dma_start3A, %dma_start3A_336] : memref<10000x128xf32, #tpu.memory_space<hbm>> -> memref<10000x128xf32, #tpu.memory_space<hbm>>
        tpu.enqueue_indirect_dma source(%dma_start3A_337 : memref<10000x128xf32, #tpu.memory_space<hbm>>) target(%arg20 : memref<128x128xf32, #tpu.memory_space<vmem>>) offsets(%arg23 : memref<128xi32, #tpu.memory_space<vmem>>) semaphore(%arg10 : memref<!tpu.dma_semaphore, #tpu.memory_space<semaphore_mem>>)
      } else {
      }
      %mul3A_302 = arith.constant 79 : i32
      %mul3A_303 = arith.muli %add3A, %mul3A_302 : i32
      %mul3A_304 = arith.constant 2 : i32
      %mul3A_305 = arith.muli %mul3A_304, %add3A_214 : i32
      %add3A_306 = arith.addi %mul3A_303, %mul3A_305 : i32
      %add3A_307 = arith.constant 1 : i32
      %add3A_308 = arith.addi %add3A_306, %add3A_307 : i32
      %lt3A_309 = arith.cmpi slt, %add3A_308, %min3A_5 : i32
      %convert_element_type3A_310 = arith.extui %lt3A_309 : i1 to i32
      %cond3A_311 = arith.constant 0 : i32
      %cond3A_312 = arith.cmpi ne, %convert_element_type3A_310, %cond3A_311 : i32
      scf.if %cond3A_312 {
        %dma_start3A = arith.constant 0 : i32
        %dma_start3A_336 = arith.constant 0 : i32
        %dma_start3A_337 = tpu.memref_slice %arg2[%dma_start3A, %dma_start3A_336] : memref<10000x128xf32, #tpu.memory_space<hbm>> -> memref<10000x128xf32, #tpu.memory_space<hbm>>
        tpu.enqueue_indirect_dma source(%dma_start3A_337 : memref<10000x128xf32, #tpu.memory_space<hbm>>) target(%arg21 : memref<128x128xf32, #tpu.memory_space<vmem>>) offsets(%arg25 : memref<128xi32, #tpu.memory_space<vmem>>) semaphore(%arg11 : memref<!tpu.dma_semaphore, #tpu.memory_space<semaphore_mem>>)
      } else {
      }
      %mul3A_313 = arith.constant 79 : i32
      %mul3A_314 = arith.muli %add3A, %mul3A_313 : i32
      %mul3A_315 = arith.constant 2 : i32
      %mul3A_316 = arith.muli %mul3A_315, %add3A_214 : i32
      %add3A_317 = arith.addi %mul3A_314, %mul3A_316 : i32
      %add3A_318 = arith.constant 0 : i32
      %add3A_319 = arith.addi %add3A_317, %add3A_318 : i32
      %lt3A_320 = arith.cmpi slt, %add3A_319, %min3A_5 : i32
      %convert_element_type3A_321 = arith.extui %lt3A_320 : i1 to i32
      %cond3A_322 = arith.constant 0 : i32
      %cond3A_323 = arith.cmpi ne, %convert_element_type3A_321, %cond3A_322 : i32
      scf.if %cond3A_323 {
        %dma_wait3A = arith.constant 0 : i32
        %dma_wait3A_336 = arith.constant 0 : i32
        %dma_wait3A_337 = tpu.memref_slice %arg2[%dma_wait3A, %dma_wait3A_336] : memref<10000x128xf32, #tpu.memory_space<hbm>> -> memref<128x128xf32, #tpu.memory_space<hbm>>
        %dma_wait3A_338 = arith.constant 0 : i32
        %dma_wait3A_339 = arith.constant 0 : i32
        %dma_wait3A_340 = tpu.memref_slice %arg2[%dma_wait3A_338, %dma_wait3A_339] : memref<10000x128xf32, #tpu.memory_space<hbm>> -> memref<128x128xf32, #tpu.memory_space<hbm>>
        tpu.wait_dma2 semaphore(%arg10 : memref<!tpu.dma_semaphore, #tpu.memory_space<semaphore_mem>>) src(%dma_wait3A_340 : memref<128x128xf32, #tpu.memory_space<hbm>>) dst(%arg20 : memref<128x128xf32, #tpu.memory_space<vmem>>)
        %dma_start3A = arith.constant 0 : i32
        %dma_start3A_341 = arith.constant 0 : i32
        %dma_start3A_342 = tpu.memref_slice %arg5[%dma_start3A, %dma_start3A_341] : memref<10000x128xf32, #tpu.memory_space<vmem_shared>> -> memref<10000x128xf32, #tpu.memory_space<vmem_shared>>
        tpu.enqueue_indirect_dma source(%arg20 : memref<128x128xf32, #tpu.memory_space<vmem>>) target(%dma_start3A_342 : memref<10000x128xf32, #tpu.memory_space<vmem_shared>>) offsets(%arg7 : memref<128xi32, #tpu.memory_space<vmem>>) semaphore(%arg26 : memref<!tpu.dma_semaphore, #tpu.memory_space<semaphore_mem>>) {add = true}
      } else {
      }
      %mul3A_324 = arith.constant 79 : i32
      %mul3A_325 = arith.muli %add3A, %mul3A_324 : i32
      %mul3A_326 = arith.constant 2 : i32
      %mul3A_327 = arith.muli %mul3A_326, %add3A_214 : i32
      %add3A_328 = arith.addi %mul3A_325, %mul3A_327 : i32
      %add3A_329 = arith.constant 1 : i32
      %add3A_330 = arith.addi %add3A_328, %add3A_329 : i32
      %lt3A_331 = arith.cmpi slt, %add3A_330, %min3A_5 : i32
      %convert_element_type3A_332 = arith.extui %lt3A_331 : i1 to i32
      %cond3A_333 = arith.constant 0 : i32
      %cond3A_334 = arith.cmpi ne, %convert_element_type3A_332, %cond3A_333 : i32
      scf.if %cond3A_334 {
        %dma_wait3A = arith.constant 0 : i32
        %dma_wait3A_336 = arith.constant 0 : i32
        %dma_wait3A_337 = tpu.memref_slice %arg2[%dma_wait3A, %dma_wait3A_336] : memref<10000x128xf32, #tpu.memory_space<hbm>> -> memref<128x128xf32, #tpu.memory_space<hbm>>
        %dma_wait3A_338 = arith.constant 0 : i32
        %dma_wait3A_339 = arith.constant 0 : i32
        %dma_wait3A_340 = tpu.memref_slice %arg2[%dma_wait3A_338, %dma_wait3A_339] : memref<10000x128xf32, #tpu.memory_space<hbm>> -> memref<128x128xf32, #tpu.memory_space<hbm>>
        tpu.wait_dma2 semaphore(%arg11 : memref<!tpu.dma_semaphore, #tpu.memory_space<semaphore_mem>>) src(%dma_wait3A_340 : memref<128x128xf32, #tpu.memory_space<hbm>>) dst(%arg21 : memref<128x128xf32, #tpu.memory_space<vmem>>)
        %dma_start3A = arith.constant 0 : i32
        %dma_start3A_341 = arith.constant 0 : i32
        %dma_start3A_342 = tpu.memref_slice %arg5[%dma_start3A, %dma_start3A_341] : memref<10000x128xf32, #tpu.memory_space<vmem_shared>> -> memref<10000x128xf32, #tpu.memory_space<vmem_shared>>
        tpu.enqueue_indirect_dma source(%arg21 : memref<128x128xf32, #tpu.memory_space<vmem>>) target(%dma_start3A_342 : memref<10000x128xf32, #tpu.memory_space<vmem_shared>>) offsets(%arg9 : memref<128xi32, #tpu.memory_space<vmem>>) semaphore(%arg27 : memref<!tpu.dma_semaphore, #tpu.memory_space<semaphore_mem>>) {add = true}
      } else {
      }
      %scan3A_335 = arith.constant 0 : i32
      scf.yield %scan3A_335 : i32
    }
    %scan3A_50 = arith.constant 20 : i32
    %mul3A_51 = arith.constant 79 : i32
    %mul3A_52 = arith.muli %add3A, %mul3A_51 : i32
    %add3A_53 = arith.constant 78 : i32
    %add3A_54 = arith.addi %mul3A_52, %add3A_53 : i32
    %add3A_55 = arith.constant 0 : i32
    %add3A_56 = arith.addi %add3A_54, %add3A_55 : i32
    %lt3A_57 = arith.cmpi slt, %add3A_56, %min3A_5 : i32
    %and3A = arith.constant true
    %and3A_58 = arith.andi %and3A, %lt3A_57 : i1
    %convert_element_type3A_59 = arith.extui %and3A_58 : i1 to i32
    %cond3A_60 = arith.constant 0 : i32
    %cond3A_61 = arith.cmpi ne, %convert_element_type3A_59, %cond3A_60 : i32
    scf.if %cond3A_61 {
      %dma_wait3A = arith.constant 0 : i32
      %dma_wait3A_89 = arith.constant 0 : i32
      %dma_wait3A_90 = tpu.memref_slice %arg2[%dma_wait3A, %dma_wait3A_89] : memref<10000x128xf32, #tpu.memory_space<hbm>> -> memref<128x128xf32, #tpu.memory_space<hbm>>
      %dma_wait3A_91 = arith.constant 0 : i32
      %dma_wait3A_92 = arith.constant 0 : i32
      %dma_wait3A_93 = tpu.memref_slice %arg2[%dma_wait3A_91, %dma_wait3A_92] : memref<10000x128xf32, #tpu.memory_space<hbm>> -> memref<128x128xf32, #tpu.memory_space<hbm>>
      tpu.wait_dma2 semaphore(%arg26 : memref<!tpu.dma_semaphore, #tpu.memory_space<semaphore_mem>>) src(%dma_wait3A_93 : memref<128x128xf32, #tpu.memory_space<hbm>>) dst(%arg20 : memref<128x128xf32, #tpu.memory_space<vmem>>)
    } else {
    }
    %mul3A_62 = arith.constant 79 : i32
    %mul3A_63 = arith.muli %add3A, %mul3A_62 : i32
    %add3A_64 = arith.constant 78 : i32
    %add3A_65 = arith.addi %mul3A_63, %add3A_64 : i32
    %add3A_66 = arith.constant 1 : i32
    %add3A_67 = arith.addi %add3A_65, %add3A_66 : i32
    %lt3A_68 = arith.cmpi slt, %add3A_67, %min3A_5 : i32
    %and3A_69 = arith.constant true
    %and3A_70 = arith.andi %and3A_69, %lt3A_68 : i1
    %convert_element_type3A_71 = arith.extui %and3A_70 : i1 to i32
    %cond3A_72 = arith.constant 0 : i32
    %cond3A_73 = arith.cmpi ne, %convert_element_type3A_71, %cond3A_72 : i32
    scf.if %cond3A_73 {
      %dma_wait3A = arith.constant 0 : i32
      %dma_wait3A_89 = arith.constant 0 : i32
      %dma_wait3A_90 = tpu.memref_slice %arg2[%dma_wait3A, %dma_wait3A_89] : memref<10000x128xf32, #tpu.memory_space<hbm>> -> memref<128x128xf32, #tpu.memory_space<hbm>>
      %dma_wait3A_91 = arith.constant 0 : i32
      %dma_wait3A_92 = arith.constant 0 : i32
      %dma_wait3A_93 = tpu.memref_slice %arg2[%dma_wait3A_91, %dma_wait3A_92] : memref<10000x128xf32, #tpu.memory_space<hbm>> -> memref<128x128xf32, #tpu.memory_space<hbm>>
      tpu.wait_dma2 semaphore(%arg27 : memref<!tpu.dma_semaphore, #tpu.memory_space<semaphore_mem>>) src(%dma_wait3A_93 : memref<128x128xf32, #tpu.memory_space<hbm>>) dst(%arg21 : memref<128x128xf32, #tpu.memory_space<vmem>>)
    } else {
    }
    %barrier3A_74 = arith.constant 0 : index
    tpu.barrier barrier_id(%barrier3A_74)
    %scan3A_75 = arith.constant 0 : i32
    %scan3A_76 = arith.constant 0 : i32
    %scan3A_77 = arith.constant 8 : i32
    %scan3A_78 = arith.addi %scan3A_76, %scan3A_77 : i32
    %scan3A_79 = arith.constant 1 : i32
    %scan3A_80 = scf.for %scan3A_89 = %scan3A_76 to %scan3A_78 step %scan3A_79 iter_args(%scan3A_90 = %scan3A_75) -> (i32)  : i32 {
      %mul3A_91 = arith.constant 16 : i32
      %mul3A_92 = arith.muli %scan3A_89, %mul3A_91 : i32
      %add3A_93 = arith.addi %arg1, %mul3A_92 : i32
      %lt3A_94 = arith.constant 125 : i32
      %lt3A_95 = arith.cmpi slt, %add3A_93, %lt3A_94 : i32
      %convert_element_type3A_96 = arith.extui %lt3A_95 : i1 to i32
      %cond3A_97 = arith.constant 0 : i32
      %cond3A_98 = arith.cmpi ne, %convert_element_type3A_96, %cond3A_97 : i32
      scf.if %cond3A_98 {
        %mul3A_100 = arith.constant 80 : i32
        %mul3A_101 = arith.muli %add3A_93, %mul3A_100 : i32
        %dma_start3A = arith.constant 0 : i32
        %dma_start3A_102 = tpu.memref_slice %arg4[%arg0, %mul3A_101, %dma_start3A] : memref<2x10000x128xf32, #tpu.memory_space<hbm>> -> memref<1x80x128xf32, #tpu.memory_space<hbm>>
        %dma_start3A_103 = tpu.memref_squeeze %dma_start3A_102 : memref<1x80x128xf32, #tpu.memory_space<hbm>> -> memref<80x128xf32, #tpu.memory_space<hbm>>
        %dma_start3A_104 = arith.constant 0 : i32
        %dma_start3A_105 = tpu.memref_slice %arg5[%mul3A_101, %dma_start3A_104] : memref<10000x128xf32, #tpu.memory_space<vmem_shared>> -> memref<80x128xf32, #tpu.memory_space<vmem_shared>>
        tpu.enqueue_dma source(%dma_start3A_105 : memref<80x128xf32, #tpu.memory_space<vmem_shared>>) target(%dma_start3A_103 : memref<80x128xf32, #tpu.memory_space<hbm>>) target_semaphore(%arg26 : memref<!tpu.dma_semaphore, #tpu.memory_space<semaphore_mem>>)
      } else {
      }
      %scan3A_99 = arith.constant 0 : i32
      scf.yield %scan3A_99 : i32
    }
    %scan3A_81 = arith.constant 8 : i32
    %scan3A_82 = arith.constant 0 : i32
    %scan3A_83 = arith.constant 0 : i32
    %scan3A_84 = arith.constant 8 : i32
    %scan3A_85 = arith.addi %scan3A_83, %scan3A_84 : i32
    %scan3A_86 = arith.constant 1 : i32
    %scan3A_87 = scf.for %scan3A_89 = %scan3A_83 to %scan3A_85 step %scan3A_86 iter_args(%scan3A_90 = %scan3A_82) -> (i32)  : i32 {
      %mul3A_91 = arith.constant 16 : i32
      %mul3A_92 = arith.muli %scan3A_89, %mul3A_91 : i32
      %add3A_93 = arith.addi %arg1, %mul3A_92 : i32
      %lt3A_94 = arith.constant 125 : i32
      %lt3A_95 = arith.cmpi slt, %add3A_93, %lt3A_94 : i32
      %convert_element_type3A_96 = arith.extui %lt3A_95 : i1 to i32
      %cond3A_97 = arith.constant 0 : i32
      %cond3A_98 = arith.cmpi ne, %convert_element_type3A_96, %cond3A_97 : i32
      scf.if %cond3A_98 {
        %dma_wait3A = arith.constant 0 : i32
        %dma_wait3A_100 = arith.constant 0 : i32
        %dma_wait3A_101 = tpu.memref_slice %arg4[%arg0, %dma_wait3A, %dma_wait3A_100] : memref<2x10000x128xf32, #tpu.memory_space<hbm>> -> memref<1x80x128xf32, #tpu.memory_space<hbm>>
        %dma_wait3A_102 = tpu.memref_squeeze %dma_wait3A_101 : memref<1x80x128xf32, #tpu.memory_space<hbm>> -> memref<80x128xf32, #tpu.memory_space<hbm>>
        %dma_wait3A_103 = arith.constant 0 : i32
        %dma_wait3A_104 = arith.constant 0 : i32
        %dma_wait3A_105 = tpu.memref_slice %arg5[%dma_wait3A_103, %dma_wait3A_104] : memref<10000x128xf32, #tpu.memory_space<vmem_shared>> -> memref<80x128xf32, #tpu.memory_space<vmem_shared>>
        tpu.wait_dma2 semaphore(%arg26 : memref<!tpu.dma_semaphore, #tpu.memory_space<semaphore_mem>>) src(%dma_wait3A_105 : memref<80x128xf32, #tpu.memory_space<vmem_shared>>) dst(%dma_wait3A_102 : memref<80x128xf32, #tpu.memory_space<hbm>>)
      } else {
      }
      %scan3A_99 = arith.constant 0 : i32
      scf.yield %scan3A_99 : i32
    }
    %scan3A_88 = arith.constant 8 : i32
    return
  }
}

module attributes {stable_mosaic.version = 14 : i64} {
  func.func @body(%arg0: i32, %arg1: memref<2x10000x128xf32, #tpu.memory_space<vmem>>, %arg2: memref<10000x128xf32, #tpu.memory_space<vmem>>) attributes {dimension_semantics = [#tpu.dimension_semantics<arbitrary>], iteration_bounds = array<i64: 1>, scalar_prefetch = 0 : i64, scratch_operands = 0 : i64, tpu.core_type = #tpu.core_type<tc>, window_params = [{transform_indices = @transform_0, window_bounds = array<i64: 2, 10000, 128>}, {transform_indices = @transform_1, window_bounds = array<i64: 10000, 128>}]} {
    %get3A = arith.constant 0 : index
    %get3A_0 = arith.constant 0 : index
    %get3A_1 = arith.constant 0 : index
    %get3A_2 = vector.load %arg1[%get3A, %get3A_0, %get3A_1] : memref<2x10000x128xf32, #tpu.memory_space<vmem>>, vector<1x10000x128xf32>
    %get3A_3 = vector.shape_cast %get3A_2 : vector<1x10000x128xf32> to vector<10000x128xf32>
    %get3A_4 = arith.constant 1 : index
    %get3A_5 = arith.constant 0 : index
    %get3A_6 = arith.constant 0 : index
    %get3A_7 = vector.load %arg1[%get3A_4, %get3A_5, %get3A_6] : memref<2x10000x128xf32, #tpu.memory_space<vmem>>, vector<1x10000x128xf32>
    %get3A_8 = vector.shape_cast %get3A_7 : vector<1x10000x128xf32> to vector<10000x128xf32>
    %add3A = arith.addf %get3A_3, %get3A_8 : vector<10000x128xf32>
    %swap3A = arith.constant 0 : index
    %swap3A_9 = arith.constant 0 : index
    %swap3A_10 = vector.load %arg2[%swap3A, %swap3A_9] : memref<10000x128xf32, #tpu.memory_space<vmem>>, vector<10000x128xf32>
    tpu.vector_store %arg2[%swap3A, %swap3A_9], %add3A {strides = array<i32>} : memref<10000x128xf32, #tpu.memory_space<vmem>>, vector<10000x128xf32>,
    return
  }
  func.func @transform_0(%arg0: i32) -> (i32, i32, i32) {
    %c0_i32 = arith.constant 0 : i32
    %c0_i32_0 = arith.constant 0 : i32
    %c0_i32_1 = arith.constant 0 : i32
    return %c0_i32, %arg0, %c0_i32_0 : i32, i32, i32
  }
  func.func @transform_1(%arg0: i32) -> (i32, i32) {
    %c0_i32 = arith.constant 0 : i32
    %c0_i32_0 = arith.constant 0 : i32
    return %arg0, %c0_i32 : i32, i32
  }
}

</mosaic_0001>

<sc_bundles>
// kernel: kernel.4.cloned.1.call-start
scs
__scs_entry_jumppad:
0x0: {  	(pc) =	sbr.rel $0x88, $3  }
0x1: {  	(tag) =	ssettag $0x0;
	lr =	simm.s32 $0x1  }
0x2: {  	[smem:$0x3F9F] =	sst lr;
	_ =	strace $0xD0000000  }
0x3: {  	_ = 	snop  }
0x4: {  	_ = 	snop  }
0x5: {  	_ = 	snop  }
0x6: {  	_ = 	snop  }
0x7: {  	_ = 	snop  }
__scs_overlays_trampoline_lowered:
0x8: {  	[smem:$0x3FAE] =	sst s0  }
0x9: {  	[smem:$0x3FAF] =	sst s1  }
0xa: {  	[smem:$0x3FB0] =	sst s2  }
0xb: {  	[smem:$0x3FB1] =	sst s3  }
0xc: {  	[smem:$0x3FB2] =	sst s4  }
0xd: {  	[smem:$0x3FB3] =	sst s5  }
0xe: {  	[smem:$0x3FB4] =	sst s6  }
0xf: {  	[smem:$0x3FB5] =	sst s7  }
0x10: {  	[smem:$0x3FB6] =	sst s8  }
0x11: {  	[smem:$0x3FB7] =	sst s9;
	s0 =	simm.s32 @!p0 $0x0  }
0x12: {  	s1 =	sld [smem:$0x3F9D];
	s0 =	simm.s32 @p0 $0x1  }
0x13: {  	[smem:$0x3FB8] =	sst s0;
	s0 =	simm.s32 @!p1 $0x0  }
0x14: {  	s2 =	sld [smem:$0x3F9C];
	s0 =	simm.s32 @p1 $0x1  }
0x15: {  	[smem:$0x3FB9] =	sst s0;
	s0 =	simm.s32 @!p2 $0x0  }
0x16: {  	s3 =	sld [smem:$0x3FDB];
	s0 =	simm.s32 @p2 $0x1  }
0x17: {  	s4 =	simm.s32 $0x1BF5;
	[smem:$0x3FBB] =	sst s0  }
0x18: {  	s0 =	sld [smem:$0x3F9E];
	_ =	swait.ge [sflag:s4], $0x0  }
0x19: {  	s7 =	sld [smem:$0x3F9F]  }
0x1a: {  	s8 =	sadd.s32 $0xFFFFE003, lr  }
0x1b: {  	s9 =	sadd.s32 $0xFFFFFEF7, lr;
	s5 =	simm.s32 $0xFFFFFFFF;
	p2 =	slt.u32 s8, $0xFFFFF086  }
0x1c: {  	p1 =	slt.u32 s9, $0xF7A;
	s5 =	simm.s32 @!p2 $0x0  }
0x1d: {  	s5 =	simm.s32 @p1 $0x1;
	p0 =	seq.s32 s7, s2  }
0x1e: {  	s7 =	smul.u32 @!p0 $0xF7A, s2;
	p2 =	seq.s32 @!p0 s5, $0x0  }
0x1f: {  	s9 =	smul.u32 $0xF7A, s1;
	s8 =	simm.s32 @!p0 $0x1BF5;
	p2 =	por !p2, p0  }
0x20: {  	[sflag:s8] =	ssyncset.s32 @!p0 $0xFFFFF086;
	s6 =	sadd.s32 @!p0 s3, s7;
	s7 =	simm.s32 @!p0 $0x108  }
0x21: {  	s3 =	sadd.s32 s3, s9;
	s6 =	sadd.s32 @!p0 $0x88, s6;
	s7 =	simm.s32 @p2 $0x1082  }
0x22: {  	[simem:s7], [sflag:s8] =	dma.local @!p0 [hbm:s6], $0xF7A  }
0x23: {  	s9 =	sor.u32 $0xD0000000, s2;
	s6 =	simm.s32 $0x108;
	_ =	swait.ge @!p0 [sflag:s8], $0x0  }
0x24: {  	s3 =	sadd.s32 $0x88, s3;
	s6 =	simm.s32 @!p1 $0x1082;
	[sflag:s4] =	ssyncset.s32 $0xFFFFF086  }
0x25: {  	[simem:s6], [sflag:s4] =	dma.local [hbm:s3], $0xF7A  }
0x26: {  	[smem:$0x3F9F] =	sst s1;
	(tag) =	ssettag s2;
	_ =	strace s9  }
0x27: {  	s1 =	sld [smem:$0x3FAF]  }
0x28: {  	s2 =	sld [smem:$0x3FB0]  }
0x29: {  	s4 =	sld [smem:$0x3FB2]  }
0x2a: {  	p0 =	seq.s32 s5, $0x0;
	s5 =	sld [smem:$0x3FB3]  }
0x2b: {  	s6 =	sld [smem:$0x3FB4]  }
0x2c: {  	s7 =	sld [smem:$0x3FB5]  }
0x2d: {  	s3 =	simm.s32 $0x108;
	s8 =	sld [smem:$0x3FB6]  }
0x2e: {  	s3 =	simm.s32 @!p0 $0x1082;
	s9 =	sld [smem:$0x3FB7]  }
0x2f: {  	lr =	sadd.s32 s0, s3;
	s0 =	sld [smem:$0x3FAE]  }
0x30: {  	s3 =	sld [smem:$0x3FB1]  }
0x31: {  	[smem:$0x3FBA] =	sst s10  }
0x32: {  	s10 =	sld [smem:$0x3FB8];
	_ =	sdelay $0x3  }
0x33: {  	p0 =	seq.s32 s10, $0x1;
	s10 =	sld [smem:$0x3FBA];
	_ =	sdelay $0x3  }
0x34: {  	[smem:$0x3FBA] =	sst s10  }
0x35: {  	s10 =	sld [smem:$0x3FB9];
	_ =	sdelay $0x3  }
0x36: {  	p1 =	seq.s32 s10, $0x1;
	s10 =	sld [smem:$0x3FBA];
	_ =	sdelay $0x3  }
0x37: {  	[smem:$0x3FBA] =	sst s10  }
0x38: {  	s10 =	sld [smem:$0x3FBB]  }
0x39: {  	_ = 	snop;
	(pc) =	sbr.ind lr, $3  }
0x3a: {  	_ = 	snop  }
0x3b: {  	_ = 	snop  }
0x3c: {  	p2 =	seq.s32 s10, $0x1;
	s10 =	sld [smem:$0x3FBA]  }
0x3d: {  	_ =	shalt  }
0x3e: {  	_ =	shalt  }
0x3f: {  	_ =	shalt  }
0x40: {  	_ =	shalt  }
0x41: {  	_ =	shalt  }
0x42: {  	_ =	shalt  }
0x43: {  	_ =	shalt  }
0x44: {  	_ =	shalt  }
0x45: {  	_ =	shalt  }
0x46: {  	_ =	shalt  }
0x47: {  	_ =	shalt  }
0x48: {  	_ =	shalt  }
0x49: {  	_ =	shalt  }
0x4a: {  	_ =	shalt  }
0x4b: {  	_ =	shalt  }
0x4c: {  	_ =	shalt  }
0x4d: {  	_ =	shalt  }
0x4e: {  	_ =	shalt  }
0x4f: {  	_ =	shalt  }
0x50: {  	_ =	shalt  }
0x51: {  	_ =	shalt  }
0x52: {  	_ =	shalt  }
0x53: {  	_ =	shalt  }
0x54: {  	_ =	shalt  }
0x55: {  	_ =	shalt  }
0x56: {  	_ =	shalt  }
0x57: {  	_ =	shalt  }
0x58: {  	_ =	shalt  }
0x59: {  	_ =	shalt  }
0x5a: {  	_ =	shalt  }
0x5b: {  	_ =	shalt  }
0x5c: {  	_ =	shalt  }
0x5d: {  	_ =	shalt  }
0x5e: {  	_ =	shalt  }
0x5f: {  	_ =	shalt  }
0x60: {  	_ =	shalt  }
0x61: {  	_ =	shalt  }
0x62: {  	_ =	shalt  }
0x63: {  	_ =	shalt  }
0x64: {  	_ =	shalt  }
0x65: {  	_ =	shalt  }
0x66: {  	_ =	shalt  }
0x67: {  	_ =	shalt  }
0x68: {  	_ =	shalt  }
0x69: {  	_ =	shalt  }
0x6a: {  	_ =	shalt  }
0x6b: {  	_ =	shalt  }
0x6c: {  	_ =	shalt  }
0x6d: {  	_ =	shalt  }
0x6e: {  	_ =	shalt  }
0x6f: {  	_ =	shalt  }
0x70: {  	_ =	shalt  }
0x71: {  	_ =	shalt  }
0x72: {  	_ =	shalt  }
0x73: {  	_ =	shalt  }
0x74: {  	_ =	shalt  }
0x75: {  	_ =	shalt  }
0x76: {  	_ =	shalt  }
0x77: {  	_ =	shalt  }
0x78: {  	_ =	shalt  }
0x79: {  	_ =	shalt  }
0x7a: {  	_ =	shalt  }
0x7b: {  	_ =	shalt  }
0x7c: {  	_ =	shalt  }
0x7d: {  	_ =	shalt  }
0x7e: {  	_ =	shalt  }
0x7f: {  	_ =	shalt  }
0x80: {  	_ =	shalt  }
0x81: {  	_ =	shalt  }
0x82: {  	_ =	shalt  }
0x83: {  	_ =	shalt  }
0x84: {  	_ =	shalt  }
0x85: {  	_ =	shalt  }
0x86: {  	_ =	shalt  }
0x87: {  	_ =	shalt  }
.Lfunc_end0:
.L_simem_size_0:
called_computation_lowered:
.L_overlay_start_0:
0x88: {  	s2 =	sld [smem:$0x3FD9]  }
0x89: {  	s3 =	sld [smem:$0x3FFE];
	_ =	sdelay $0x1  }
0x8a: {  	s1 =	srdreg.scid  }
0x8b: {  	s0 =	sand.u32 $0x1, s1  }
0x8c: {  	s17 =	sshll.u32 s0, $0xA;
	s2 =	sadd.s32 s3, s2  }
0x8d: {  	s2 =	sadd.s32 s2, s17  }
0x8e: {  	[smem:$0x3FC6] =	sst s2  }
0x8f: {  	_ = 	snop  }
0x90: {  	s2 =	sld [smem:$0x3FC9]  }
0x91: {  	s18 =	sld [smem:$0x3FC8];
	(tm) =	ssettm $0x1  }
0x92: {  	s4 =	sld [smem:$0x3FFB];
	_ =	sdelay $0x3  }
0x93: {  	_ =	strace s4  }
0x94: {  	s4 =	sld [smem:$0x3FFC];
	_ =	sdelay $0x3  }
0x95: {  	_ =	strace s4  }
0x96: {  	s4 =	sld [smem:$0x3FFD];
	_ =	sdelay $0x3  }
0x97: {  	_ =	strace s4  }
0x98: {  	_ =	strace $0x8FFFFFFF  }
0x99: {  	s19 =	sld [smem:$0x3FDB];
	_ =	sdelay $0x1  }
0x9a: {  	s5 =	simm.s32 $_scs_section_size  }
0x9b: {  	s6 =	simm.s32 $_size__tile_overlayer_lowered;
	s7 =	simm.s32 $_tile_overlayer_lowered  }
0x9c: {  	s22 =	simm.s32 $0x1BFF;
	s21 =	sshll.u32 s7, $0x1;
	s4 =	sadd.s32 s5, s19  }
0x9d: {  	s8 =	simm.s32 $0x0;
	s20 =	sshll.u32 s6, $0x1;
	s6 =	sadd.s32 s21, s4  }
0x9e: {  	[timem:s8], [sflag:s22] =	dma.local [hbm:s6], s20  }
0x9f: {  	_ =	swait.ge [sflag:s22], s20  }
0xa0: {  	s5 =	ssub.s32 $0x0, s20;
	[sflag:s22] =	ssyncset.done $0x0  }
0xa1: {  	[sflag:s22] =	ssyncadd.s32 s5;
	_ =	sdelay $0x1  }
0xa2: {  	s23 =	simm.s32 $0x1B8B  }
0xa3: {  	_ =	swait.ge [sflag:s23], $0x1  }
0xa4: {  	[sflag:s23] =	ssyncset.done $0x0  }
0xa5: {  	s25 =	simm.s32 $0x1B8E;
	s24 =	sld [smem:$0x3FFE];
	[sflag:s23] =	ssyncadd.s32 $0xFFFFFFFF  }
0xa6: {  	s26 =	simm.s32 $execute0_lowered;
	[smem:$0x3FD2] =	sst s25  }
0xa7: {  	s6 =	sshll.u32 s26, $0x1;
	_ =	strace $0x80000046;
	[dreg:$0x1] =	wrdreg $0xFFFFFFFF  }
0xa8: {  	s28 =	simm.s32 $_size_execute0_lowered;
	s4 =	sadd.s32 s4, s6;
	[dreg:$0x0] =	wrdreg $0x0  }
0xa9: {  	s6 =	sshll.u32 s28, $0x1;
	[dreg:$0x2] =	wrdreg s4  }
0xaa: {  	[dreg:$0x3] =	wrdreg s6  }
0xab: {  	[dreg:$0x4] =	wrdreg $0xC0  }
0xac: {  	_ =	task [dreg:s8], $0x5FFFF  }
0xad: {  	[dreg:$0x1] =	wrdreg $0xFFFFFFFF  }
0xae: {  	[dreg:$0x0] =	wrdreg $0x60  }
0xaf: {  	[dreg:$0x2] =	wrdreg s2  }
0xb0: {  	[dreg:$0x3] =	wrdreg s18  }
0xb1: {  	[dreg:$0x4] =	wrdreg s24  }
0xb2: {  	[dreg:$0x5] =	wrdreg $0x0  }
0xb3: {  	[dreg:$0x6] =	wrdreg $0x9  }
0xb4: {  	_ =	task.clear_ibuf [dreg:s8], $0x7FFFF;
	_ =	strace $0x90000046  }
0xb5: {  	s29 =	simm.s32 $0x9;
	_ =	strace $0x80000048  }
0xb6: {  	_ =	swait.ge [sflag:s29], $0x1  }
0xb7: {  	[sflag:s29] =	ssyncadd.s32 $0xFFFFFFFF  }
0xb8: {  	_ =	strace $0x90000048  }
0xb9: {  	_ =	sfence  }
0xba: {  	s30 =	sld [smem:$0x0];
	_ =	sdelay $0x2  }
0xbb: {  	s31 =	sshll.u32 s1, $0xD;
	s1 =	sshrl.u32 s1, $0x2  }
0xbc: {  	s3 =	sand.u32 $0x4000, s31;
	s1 =	sadd.s32 s1, s30  }
0xbd: {  	s0 =	sor.u32 s3, s0;
	s1 =	sshll.u32 s1, $0x11  }
0xbe: {  	s0 =	sor.u32 s1, s0  }
0xbf: {  	s0 =	sadd.s32 $0x8F2B, s0  }
0xc0: {  	[sflag:s0] =	ssyncadd.remote.s32 $0x1  }
0xc1: {  	_ =	sfence.sel $0xFFFF  }
0xc2: {  	[dreg:$0x0] =	wrdreg $0xFFFFFFFF;
	(pc) =	sbr.abs _section_cstart, $3  }
0xc3: {  	[dreg:$0x1] =	wrdreg $0xFFFFFFFF  }
0xc4: {  	_ =	task.clear_ibuf [dreg:s8], $0x2FFFF;
	_ =	strace $0x9FFFFFFF  }
0xc5: {  	(tm) =	ssettm $0x7FFFFFFF  }
tec
execute0_lowered:
.L_overlay_start_1:
0x0: {  	(tag) =	ssettag $0x1  }
0x1: {  	s0 =	srdreg.scid;
	s20 =	stileid.u32  }
0x2: {  	s8 =	sand.u32 $0x1, s0;
	s14 =	smul.u32 $0x2800, s20  }
0x3: {  	s18 =	sor.u32 $0x10, s20;
	s13 =	smul.u32 $0x138800, s8  }
0x4: {  	s7 =	sor.u32 $0x20, s20;
	s15 =	smul.u32 $0x2800, s18  }
0x5: {  	s5 =	sor.u32 $0x30, s20;
	s17 =	smul.u32 $0x2800, s7  }
0x6: {  	s2 =	rddreg [dreg:$0x2];
	s4 =	sor.u32 $0x40, s20;
	s19 =	smul.u32 $0x2800, s5  }
0x7: {  	s11 =	sadd.s32 $0x600, s2;
	s2 =	sor.u32 $0x60, s20;
	s29 =	smul.u32 $0x2800, s4  }
0x8: {  	s22 =	smul.u32 $0x2800, s2  }
0x9: {  	s7 =	smul.u32 $0xA000, s7  }
0xa: {  	s5 =	smul.u32 $0xA000, s5  }
0xb: {  	s9 =	rddreg [dreg:$0x1];
	s0 =	sshll.u32 s8, $0x4;
	s4 =	smul.u32 $0xA000, s4  }
0xc: {  	s31 =	simm.s32 $0x13A80;
	s2 =	smul.u32 $0xA000, s2;
	s0 =	sor.u32 s20, s0  }
0xd: {  	s12 =	sadd.s32 $0x10, s9;
	s1 =	ssub.s32 $0x2, s8;
	s10 =	smul.u32 $0x9E0, s0  }
0xe: {  	p2 =	sgt.u32 s20, $0xC;
	s3 =	sshrl.u32 s1, $0x1;
	s6 =	smul.u32 $0x4F, s0  }
0xf: {  	s1 =	ssub.s32 s1, s3;
	s3 =	sor.u32 $0x50, s20;
	s0 =	sor.u32 $0x70, s20  }
0x10: {  	s14 =	sadd.s32 s13, s14;
	s26 =	sadd.s32 s13, s17;
	s17 =	smul.u32 $0x4F, s20  }
0x11: {  	s15 =	sadd.s32 s13, s15;
	s28 =	sadd.s32 s13, s19;
	s19 =	smul.u32 $0x2800, s3  }
0x12: {  	s21 =	sadd.s32 s13, s29;
	s4 =	sshrl.u32 s4, $0x2;
	s23 =	smul.u32 $0x2800, s0  }
0x13: {  	s14 =	sshrl.u32 s14, $0x3;
	s15 =	sshrl.u32 s15, $0x3;
	s3 =	smul.u32 $0xA000, s3  }
0x14: {  	s1 =	smax.u32 s1, $0x1;
	p1 =	sgt.u32 s0, $0x7C;
	s0 =	smul.u32 $0xA000, s0  }
0x15: {  	s24 =	sadd.s32 s9, s10;
	s14 =	sadd.s32 s11, s14;
	s25 =	sadd.s32 s11, s15  }
0x16: {  	s15 =	sshrl.u32 s28, $0x3;
	s28 =	smul.u32 $0x9E00, s8;
	[dreg:$0x5] =	wrdreg s24  }
0x17: {  	s16 =	sadd.s32 $0x1, s6;
	s8 =	smul.u32 $0x4F0, s8;
	[dreg:$0x6] =	wrdreg s14  }
0x18: {  	s10 =	sadd.s32 s10, s12;
	[dreg:$0x7] =	wrdreg s25;
	s14 =	sshrl.u32 s26, $0x3  }
0x19: {  	s25 =	sadd.s32 s13, s22;
	s29 =	sshll.u32 s16, $0x5;
	[dreg:$0xe] =	wrdreg s10  }
0x1a: {  	s22 =	smul.u32 $0xA000, s20;
	s0 =	sshrl.u32 s0, $0x2;
	s14 =	sadd.s32 s11, s14  }
0x1b: {  	s26 =	sshrl.u32 s25, $0x3;
	s8 =	sadd.s32 s17, s8;
	s17 =	rddreg [dreg:$0x0]  }
0x1c: {  	s25 =	sshrl.u32 s7, $0x2;
	[dreg:$0x8] =	wrdreg s14;
	s14 =	sadd.s32 s11, s15  }
0x1d: {  	s15 =	sadd.s32 s13, s19;
	[dreg:$0x9] =	wrdreg s14;
	s14 =	sshrl.u32 s21, $0x3  }
0x1e: {  	s13 =	sadd.s32 s13, s23;
	s24 =	sshrl.u32 s15, $0x3;
	s14 =	sadd.s32 s11, s14  }
0x1f: {  	s19 =	smin.u32 s6, $0x975;
	[dreg:$0xa] =	wrdreg s14;
	s14 =	sadd.s32 s11, s24  }
0x20: {  	s13 =	sshrl.u32 s13, $0x3;
	s15 =	smul.u32 $0x9E0, s20;
	[dreg:$0xb] =	wrdreg s14  }
0x21: {  	s14 =	sadd.s32 s11, s26;
	s11 =	sadd.s32 s11, s13;
	s13 =	sadd.s32 s29, s12  }
0x22: {  	[dreg:$0xd] =	wrdreg s11;
	s11 =	sadd.s32 s9, s29;
	s9 =	sadd.s32 s28, s9  }
0x23: {  	[dreg:$0xf] =	wrdreg s13;
	s13 =	sadd.s32 s15, s9;
	s15 =	sadd.s32 $0x4F, s19  }
0x24: {  	s21 =	smul.u32 $0xA000, s18;
	s18 =	rddreg [dreg:$0x3];
	p0 =	sge.u32 s16, s15  }
0x25: {  	s23 =	sshrl.u32 s22, $0x2;
	[dreg:$0xc] =	wrdreg s14;
	s10 =	simm.s32 @!p0 $0x0  }
0x26: {  	s14 =	simm.s32 $0x0;
	s10 =	simm.s32 @p0 $0x1;
	p0 =	sge.u32 s6, s15  }
0x27: {  	s6 =	sadd.s32 $0x4E, s6;
	[smem:$0x7F9] =	sst s10;
	s10 =	simm.s32 @!p0 $0x0  }
0x28: {  	[dreg:$0x10] =	wrdreg s11;
	s10 =	simm.s32 @p0 $0x1;
	p0 =	sge.u32 s6, s15  }
0x29: {  	s30 =	sadd.s32 $0x5, s8;
	[smem:$0x7FF] =	sst s14;
	s6 =	simm.s32 @!p0 $0x0  }
0x2a: {  	s26 =	sshrl.u32 s5, $0x2;
	[smem:$0x7FA] =	sst s10;
	s6 =	simm.s32 @p0 $0x1  }
0x2b: {  	s11 =	sadd.s32 s0, s18;
	s0 =	simm.s32 @!p1 $0x0;
	[smem:$0x7FB] =	sst s6  }
0x2c: {  	s0 =	simm.s32 @p1 $0x1;
	_ =	strace $0x80000047;
	[dreg:$0x11] =	wrdreg s1  }
0x2d: {  	s7 =	sadd.s32 s25, s18;
	s5 =	sadd.s32 s26, s18;
	[smem:$0x7FC] =	sst s0  }
0x2e: {  	s4 =	sadd.s32 s4, s18;
	s28 =	sshrl.u32 s3, $0x2;
	[dreg:$0x12] =	wrdreg s5  }
0x2f: {  	s29 =	sshrl.u32 s2, $0x2;
	s3 =	sadd.s32 s28, s18;
	[dreg:$0x13] =	wrdreg s4  }
0x30: {  	s24 =	sshrl.u32 s21, $0x2;
	s10 =	sadd.s32 s29, s18;
	[dreg:$0x14] =	wrdreg s3  }
0x31: {  	s19 =	sadd.s32 $0x4E, s19;
	[dreg:$0x15] =	wrdreg s10;
	s0 =	simm.s32 @!p2 $0x0  }
0x32: {  	s9 =	sadd.s32 s24, s18;
	[dreg:$0x16] =	wrdreg s11;
	s0 =	simm.s32 @p2 $0x1  }
0x33: {  	v0 =	vimm.f32 $0.0e+00;
	s16 =	simm.s32 $0xB;
	s6 =	sadd.s32 s23, s18;
	[smem:$0x7FD] =	sst s0  }
.LBB2_1:
0x34: {  	s0 =	sld [smem:$0x7FA];
	_ =	sdelay $0x2  }
0x35: {  	s2 =	rddreg [dreg:$0x5];
	p0 =	seq.s32 s0, $0x1  }
0x36: {  	s29 =	sld [smem:$0x7F9];
	s0 =	simm.s32 @!p0 $0x0;
	s1 =	simm.s32 @!p0 $0x1BA80  }
0x37: {  	[tilespmem:s1], [sflag:$0x7] =	stream.linear.gather @!p0 [hbm4b:s2+s0], $0x80, $0x38;
	[tilespmem:$0x1BC80] =	vst v63  }
0x38: {  	s1 =	simm.s32 @!p0 $0x13880;
	s2 =	rddreg [dreg:$0xe]  }
0x39: {  	[tilespmem:s1], [sflag:$0x3] =	stream.linear.gather @!p0 [hbm4b:s2+s0], $0x80, $0x38;
	[tilespmem:$0x1BC80] =	vst v63  }
0x3a: {  	p0 =	seq.s32 s29, $0x1  }
0x3b: {  	s2 =	rddreg [dreg:$0x10];
	s0 =	simm.s32 @!p0 $0x0;
	s1 =	simm.s32 @!p0 $0x1BB80  }
0x3c: {  	[tilespmem:s1], [sflag:$0x9] =	stream.linear.gather @!p0 [hbm4b:s2+s0], $0x80, $0x38;
	[tilespmem:$0x1BC80] =	vst v63  }
0x3d: {  	s1 =	simm.s32 @!p0 $0x13980;
	s2 =	rddreg [dreg:$0xf]  }
0x3e: {  	[tilespmem:s1], [sflag:$0x5] =	stream.linear.gather @!p0 [hbm4b:s2+s0], $0x80, $0x38;
	[tilespmem:$0x1BC80] =	vst v63  }
0x3f: {  	s0 =	simm.s32 $0x70;
	s1 =	simm.s32 $0x3C0  }
.LBB2_2:
0x40: {  	p0 =	sne.s32 s1, $0x9FC0;
	[tilespmem:s0+$0x13A80] =	vst v0  }
0x41: {  	[tilespmem:s0+$0x13A10] =	vst v0  }
0x42: {  	[tilespmem:s0+$0x13A20] =	vst v0  }
.Ltmp0:
0x43: {  	[tilespmem:s0+$0x13A30] =	vst v0;
	(pc) =	sbr.rel @p0 .LBB2_2-.Ltmp0, $4  }
0x44: {  	[tilespmem:s0+$0x13A40] =	vst v0  }
0x45: {  	[tilespmem:s0+$0x13A50] =	vst v0  }
0x46: {  	[tilespmem:s0+$0x13A60] =	vst v0  }
0x47: {  	[tilespmem:s0+$0x13A70] =	vst v0;
	s0 =	sshra.s32 s1, $0x2;
	s1 =	sadd.s32 $0x200, s1  }
0x48: {  	[tilespmem:s0+$0x13A80] =	vst v0  }
0x49: {  	[tilespmem:s0+$0x13A10] =	vst v0  }
0x4a: {  	[tilespmem:s0+$0x13A20] =	vst v0  }
0x4b: {  	[tilespmem:s0+$0x13A30] =	vst v0  }
0x4c: {  	[tilespmem:s0+$0x13A40] =	vst v0  }
0x4d: {  	[tilespmem:s0+$0x13A50] =	vst v0  }
0x4e: {  	[tilespmem:s0+$0x13A60] =	vst v0  }
0x4f: {  	[tilespmem:s0+$0x13A70] =	vst v0  }
0x50: {  	[spmem:s6] =	stream.linear.scatter [tilespmem:s31], [sflag:$0xB], $0x2800, $0x38;
	[tilespmem:$0x1BC80] =	vst v63  }
0x51: {  	_ = 	snop  }
0x52: {  	[spmem:s9] =	stream.linear.scatter [tilespmem:s31], [sflag:$0xB], $0x2800, $0x38;
	[tilespmem:$0x1BC80] =	vst v63  }
0x53: {  	_ = 	snop  }
0x54: {  	[spmem:s7] =	stream.linear.scatter [tilespmem:s31], [sflag:$0xB], $0x2800, $0x38;
	[tilespmem:$0x1BC80] =	vst v63  }
0x55: {  	_ = 	snop  }
0x56: {  	[spmem:s5] =	stream.linear.scatter [tilespmem:s31], [sflag:$0xB], $0x2800, $0x38;
	[tilespmem:$0x1BC80] =	vst v63  }
0x57: {  	_ = 	snop  }
0x58: {  	[spmem:s4] =	stream.linear.scatter [tilespmem:s31], [sflag:$0xB], $0x2800, $0x38;
	[tilespmem:$0x1BC80] =	vst v63  }
0x59: {  	_ = 	snop  }
0x5a: {  	[spmem:s3] =	stream.linear.scatter [tilespmem:s31], [sflag:$0xB], $0x2800, $0x38;
	[tilespmem:$0x1BC80] =	vst v63  }
0x5b: {  	_ = 	snop  }
0x5c: {  	[spmem:s10] =	stream.linear.scatter [tilespmem:s31], [sflag:$0xB], $0x2800, $0x38;
	[tilespmem:$0x1BC80] =	vst v63  }
0x5d: {  	s0 =	simm.s32 @!p1 $0x13A80  }
0x5e: {  	[spmem:s11] =	stream.linear.scatter @!p1 [tilespmem:s0], [sflag:$0xB], $0x2800, $0x38;
	[tilespmem:$0x1BC80] =	vst v63  }
0x5f: {  	_ =	swait.ge [sflag:s16], $0x2800  }
0x60: {  	[sflag:s16] =	ssyncset.done $0x0  }
0x61: {  	[sflag:s16] =	ssyncadd.s32 $0xFFFFD800  }
0x62: {  	_ =	swait.ge [sflag:s16], $0x2800  }
0x63: {  	[sflag:s16] =	ssyncset.done $0x0  }
0x64: {  	[sflag:s16] =	ssyncadd.s32 $0xFFFFD800  }
0x65: {  	_ =	swait.ge [sflag:s16], $0x2800  }
0x66: {  	[sflag:s16] =	ssyncset.done $0x0  }
0x67: {  	[sflag:s16] =	ssyncadd.s32 $0xFFFFD800  }
0x68: {  	_ =	swait.ge [sflag:s16], $0x2800  }
0x69: {  	[sflag:s16] =	ssyncset.done $0x0  }
0x6a: {  	[sflag:s16] =	ssyncadd.s32 $0xFFFFD800  }
0x6b: {  	_ =	swait.ge [sflag:s16], $0x2800  }
0x6c: {  	[sflag:s16] =	ssyncset.done $0x0  }
0x6d: {  	[sflag:s16] =	ssyncadd.s32 $0xFFFFD800  }
0x6e: {  	_ =	swait.ge [sflag:s16], $0x2800  }
0x6f: {  	[sflag:s16] =	ssyncset.done $0x0  }
0x70: {  	[sflag:s16] =	ssyncadd.s32 $0xFFFFD800  }
0x71: {  	_ =	swait.ge [sflag:s16], $0x2800  }
0x72: {  	[sflag:s16] =	ssyncset.done $0x0  }
0x73: {  	s0 =	simm.s32 @!p2 $0xB;
	[sflag:s16] =	ssyncadd.s32 $0xFFFFD800  }
0x74: {  	p0 =	por $0x1, $0x1;
	s1 =	sadd.s32 $0xFFFFFFF9, s30;
	_ =	swait.ge @!p2 [sflag:s0], $0x2800  }
0x75: {  	p1 =	sge.s32 @!p0 s1, s15;
	[sflag:s0] =	ssyncset.done @!p2 $0x0  }
0x76: {  	p1 =	por p1, p0;
	[sflag:s0] =	ssyncadd.s32 @!p2 $0xFFFFD800  }
0x77: {  	s0 =	simm.s32 @!p1 $0xB;
	[bflag:$0x0] =	sbarrier.arrive $0xFFFF  }
0x78: {  	p2 =	sge.s32 @!p0 s1, s19;
	_ =	swait.ge @!p1 [sflag:s0], $0x4000  }
0x79: {  	p2 =	por p2, p0;
	[sflag:s0] =	ssyncset.done @!p1 $0x0  }
0x7a: {  	s1 =	simm.s32 @!p2 $0xC;
	[sflag:s0] =	ssyncadd.s32 @!p1 $0xFFFFC000  }
0x7b: {  	s22 =	sadd.s32 $0xFFFFFFFB, s30;
	_ =	swait.ge @!p2 [sflag:s1], $0x4000  }
0x7c: {  	p0 =	sge.u32 s22, s15;
	[sflag:s1] =	ssyncset.done @!p2 $0x0  }
0x7d: {  	s2 =	simm.s32 @!p0 $0x7;
	[sflag:s1] =	ssyncadd.s32 @!p2 $0xFFFFC000  }
0x7e: {  	_ =	swait.ge @!p0 [sflag:s2], $0x80  }
0x7f: {  	[sflag:s2] =	ssyncset.done @!p0 $0x0  }
0x80: {  	s1 =	simm.s32 @!p0 $0x3;
	[sflag:s2] =	ssyncadd.s32 @!p0 $0xFFFFFF80  }
0x81: {  	_ =	swait.ge @!p0 [sflag:s1], $0x80  }
0x82: {  	p1 =	sge.u32 s22, s19;
	[sflag:s1] =	ssyncset.done @!p0 $0x0  }
0x83: {  	s0 =	simm.s32 @!p1 $0x9;
	[sflag:s1] =	ssyncadd.s32 @!p0 $0xFFFFFF80  }
0x84: {  	s26 =	smov.u32 s6;
	_ =	swait.ge @!p1 [sflag:s0], $0x80  }
0x85: {  	s29 =	smov.u32 s7;
	s23 =	sadd.s32 $0xFFFFFFFD, s30;
	[sflag:s0] =	ssyncset.done @!p1 $0x0  }
0x86: {  	s24 =	sadd.s32 $0xFFFFFFFE, s30;
	[sflag:s0] =	ssyncadd.s32 @!p1 $0xFFFFFF80;
	s0 =	simm.s32 @!p1 $0x5  }
0x87: {  	p5 =	sge.u32 s23, s15;
	p6 =	sge.u32 s24, s15;
	_ =	swait.ge @!p1 [sflag:s0], $0x80  }
0x88: {  	s4 =	simm.s32 @!p5 $0x0;
	s3 =	sadd.s32 @!p5 $0x0, s13;
	[sflag:s0] =	ssyncset.done @!p1 $0x0  }
0x89: {  	s5 =	sadd.s32 @!p5 $0x40, s3;
	s2 =	simm.s32 @!p5 $0x1BB00;
	[sflag:s0] =	ssyncadd.s32 @!p1 $0xFFFFFF80  }
0x8a: {  	[tilespmem:s2], [sflag:$0x8] =	stream.linear.gather @!p5 [hbm4b:s5+s4], $0x80, $0x38;
	[tilespmem:$0x1BC80] =	vst v63  }
0x8b: {  	s1 =	sadd.s32 @!p6 $0x0, s13;
	s0 =	sadd.s32 @!p5 $0x50, s3;
	s5 =	simm.s32 @!p5 $0x13900  }
0x8c: {  	[tilespmem:s5], [sflag:$0x4] =	stream.linear.gather @!p5 [hbm4b:s0+s4], $0x80, $0x38;
	[tilespmem:$0x1BC80] =	vst v63  }
0x8d: {  	s11 =	simm.s32 @!p6 $0x1BC00;
	s3 =	simm.s32 @!p6 $0x0;
	s0 =	sadd.s32 @!p6 $0x60, s1  }
0x8e: {  	[tilespmem:s11], [sflag:$0xA] =	stream.linear.gather @!p6 [hbm4b:s0+s3], $0x80, $0x38;
	[tilespmem:$0x1BC80] =	vst v63  }
0x8f: {  	s6 =	simm.s32 @!p0 $0x13A80;
	s4 =	simm.s32 @!p6 $0x13A00;
	s0 =	sadd.s32 @!p6 $0x70, s1  }
0x90: {  	[tilespmem:s4], [sflag:$0x6] =	stream.linear.gather @!p6 [hbm4b:s0+s3], $0x80, $0x38;
	[tilespmem:$0x1BC80] =	vst v63  }
0x91: {  	s7 =	simm.s32 @!p1 $0x1BB80;
	s0 =	simm.s32 @!p0 $0x80;
	s3 =	simm.s32 @!p0 $0x1BA80  }
0x92: {  	[tilespmem:s6], [sflag:$0x1] =	stream.indirect.gather @!p0 [hbm4b:s17+s0], $0x80, s3, s0, $0xb8;
	[tilespmem:$0x1BC80] =	vst v63  }
0x93: {  	s8 =	simm.s32 @!p1 $0x17A80;
	s1 =	simm.s32 @!p0 $0x1;
	s3 =	simm.s32 @!p1 $0x80  }
0x94: {  	[tilespmem:s8], [sflag:$0x2] =	stream.indirect.gather @!p1 [hbm4b:s17+s3], $0x80, s7, s3, $0xb8;
	[tilespmem:$0x1BC80] =	vst v63  }
0x95: {  	_ =	swait.ge @!p0 [sflag:s1], $0x4000  }
0x96: {  	[sflag:s1] =	ssyncset.done @!p0 $0x0  }
0x97: {  	s7 =	simm.s32 @!p0 $0x13880;
	[sflag:s1] =	ssyncadd.s32 @!p0 $0xFFFFC000;
	s1 =	simm.s32 @!p1 $0x2  }
0x98: {  	[spmem:s18] =	stream.indirect.scatter.add.f32 @!p0 [tilespmem:s6], [sflag:$0xB], $0x80, s7, s0, $0xb8;
	[tilespmem:$0x1BC80] =	vst v63  }
0x99: {  	_ =	swait.ge @!p1 [sflag:s1], $0x4000  }
0x9a: {  	[sflag:s1] =	ssyncset.done @!p1 $0x0  }
0x9b: {  	s0 =	simm.s32 @!p0 $0xB;
	[sflag:s1] =	ssyncadd.s32 @!p1 $0xFFFFC000;
	s1 =	simm.s32 @!p1 $0x13980  }
0x9c: {  	[spmem:s18] =	stream.indirect.scatter.add.f32 @!p1 [tilespmem:s8], [sflag:$0xC], $0x80, s1, s3, $0xb8;
	[tilespmem:$0x1BC80] =	vst v63  }
0x9d: {  	_ =	swait.ge @!p0 [sflag:s0], $0x4000  }
0x9e: {  	[sflag:s0] =	ssyncset.done @!p0 $0x0  }
0x9f: {  	s1 =	simm.s32 @!p1 $0xC;
	[sflag:s0] =	ssyncadd.s32 @!p0 $0xFFFFC000  }
0xa0: {  	_ =	swait.ge @!p1 [sflag:s1], $0x4000  }
0xa1: {  	[sflag:s1] =	ssyncset.done @!p1 $0x0  }
0xa2: {  	s0 =	simm.s32 @!p5 $0x8;
	[sflag:s1] =	ssyncadd.s32 @!p1 $0xFFFFC000  }
0xa3: {  	_ =	swait.ge @!p5 [sflag:s0], $0x80  }
0xa4: {  	[sflag:s0] =	ssyncset.done @!p5 $0x0  }
0xa5: {  	s1 =	simm.s32 @!p5 $0x4;
	[sflag:s0] =	ssyncadd.s32 @!p5 $0xFFFFFF80  }
0xa6: {  	s28 =	smov.u32 s9;
	_ =	swait.ge @!p5 [sflag:s1], $0x80  }
0xa7: {  	s25 =	sadd.s32 $0xFFFFFFFF, s30;
	s7 =	simm.s32 @!p6 $0xA;
	[sflag:s1] =	ssyncset.done @!p5 $0x0  }
0xa8: {  	s6 =	simm.s32 $0x100;
	s3 =	simm.s32 $0x0;
	[sflag:s1] =	ssyncadd.s32 @!p5 $0xFFFFFF80  }
0xa9: {  	s8 =	simm.s32 @!p6 $0x6;
	p1 =	sge.u32 s25, s15;
	_ =	swait.ge @!p6 [sflag:s7], $0x80  }
0xaa: {  	p0 =	sge.u32 s30, s15;
	s9 =	simm.s32 @!p1 $0x1BA80;
	[sflag:s7] =	ssyncset.done @!p6 $0x0  }
0xab: {  	s12 =	simm.s32 @!p1 $0x0;
	s21 =	simm.s32 @!p1 $0x13880;
	[sflag:s7] =	ssyncadd.s32 @!p6 $0xFFFFFF80  }
0xac: {  	s0 =	simm.s32 $0x80;
	s7 =	sadd.s32 @!p1 $0x0, s13;
	_ =	swait.ge @!p6 [sflag:s8], $0x80  }
0xad: {  	s1 =	sadd.s32 $0x4, s30;
	s10 =	sadd.s32 @!p1 $0x80, s7;
	[sflag:s8] =	ssyncset.done @!p6 $0x0  }
0xae: {  	s20 =	sadd.s32 @!p1 $0x90, s7;
	s7 =	smov.u32 s1;
	[sflag:s8] =	ssyncadd.s32 @!p6 $0xFFFFFF80  }
0xaf: {  	[tilespmem:s9], [sflag:$0x7] =	stream.linear.gather @!p1 [hbm4b:s10+s12], $0x80, $0x38;
	[tilespmem:$0x1BC80] =	vst v63  }
0xb0: {  	s8 =	simm.s32 @!p5 $0x80;
	s9 =	simm.s32 @!p5 $0x1;
	s10 =	simm.s32 @!p5 $0x13A80  }
.LBB2_4:
0xb1: {  	s22 =	sadd.s32 @!p0 s3, s13  }
0xb2: {  	s3 =	smov.u32 s0;
	s0 =	smov.u32 s6;
	s6 =	sadd.s32 $0x80, s6  }
0xb3: {  	[tilespmem:s21], [sflag:$0x3] =	stream.linear.gather @!p1 [hbm4b:s20+s12], $0x80, $0x38;
	[tilespmem:$0x1BC80] =	vst v63  }
0xb4: {  	s12 =	sadd.s32 @!p0 $0xA0, s22;
	s20 =	simm.s32 @!p0 $0x0;
	s21 =	simm.s32 @!p0 $0x1BB80  }
0xb5: {  	[tilespmem:s21], [sflag:$0x9] =	stream.linear.gather @!p0 [hbm4b:s12+s20], $0x80, $0x38;
	[tilespmem:$0x1BC80] =	vst v63  }
0xb6: {  	s1 =	sadd.s32 $0x4, s1;
	s12 =	sadd.s32 @!p0 $0xB0, s22;
	s21 =	simm.s32 @!p0 $0x13980  }
0xb7: {  	[tilespmem:s21], [sflag:$0x5] =	stream.linear.gather @!p0 [hbm4b:s12+s20], $0x80, $0x38;
	[tilespmem:$0x1BC80] =	vst v63  }
0xb8: {  	p2 =	sne.s32 s6, $0xA00;
	p0 =	seq.s32 s3, $0x0  }
0xb9: {  	[tilespmem:s10], [sflag:$0x1] =	stream.indirect.gather @!p5 [hbm4b:s17+s8], $0x80, s2, s8, $0xb8;
	[tilespmem:$0x1BC80] =	vst v63  }
0xba: {  	s12 =	simm.s32 @!p6 $0x80;
	s20 =	simm.s32 @!p6 $0x17A80;
	s2 =	sadd.s32 $0xFFFFFFF9, s7  }
0xbb: {  	[tilespmem:s20], [sflag:$0x2] =	stream.indirect.gather @!p6 [hbm4b:s17+s12], $0x80, s11, s12, $0xb8;
	[tilespmem:$0x1BC80] =	vst v63  }
0xbc: {  	p1 =	sge.s32 @!p0 s2, s15;
	p3 =	sge.s32 @!p0 s2, s19;
	_ =	swait.ge @!p5 [sflag:s9], $0x4000  }
0xbd: {  	s2 =	sadd.s32 $0xFFFFFFFB, s7;
	p4 =	por p1, p0;
	[sflag:s9] =	ssyncset.done @!p5 $0x0  }
0xbe: {  	s11 =	simm.s32 @!p4 $0xB;
	[sflag:s9] =	ssyncadd.s32 @!p5 $0xFFFFC000;
	s9 =	simm.s32 @!p6 $0x2  }
0xbf: {  	[spmem:s18] =	stream.indirect.scatter.add.f32 @!p5 [tilespmem:s10], [sflag:$0xB], $0x80, s5, s8, $0xb8;
	[tilespmem:$0x1BC80] =	vst v63  }
0xc0: {  	p1 =	por p3, p0;
	p0 =	sge.u32 s2, s15;
	_ =	swait.ge @!p6 [sflag:s9], $0x4000  }
0xc1: {  	p3 =	sge.u32 s2, s19;
	s5 =	simm.s32 @!p0 $0x7;
	[sflag:s9] =	ssyncset.done @!p6 $0x0  }
0xc2: {  	s2 =	sadd.s32 $0xFFFFFFFD, s7;
	s21 =	simm.s32 @!p1 $0xC;
	[sflag:s9] =	ssyncadd.s32 @!p6 $0xFFFFC000  }
0xc3: {  	[spmem:s18] =	stream.indirect.scatter.add.f32 @!p6 [tilespmem:s20], [sflag:$0xC], $0x80, s4, s12, $0xb8;
	[tilespmem:$0x1BC80] =	vst v63  }
0xc4: {  	p5 =	sge.u32 s2, s15;
	s4 =	sadd.s32 $0xFFFFFFFE, s7;
	_ =	swait.ge @!p4 [sflag:s11], $0x4000  }
0xc5: {  	s8 =	sadd.s32 @!p5 s3, s13;
	s12 =	simm.s32 @!p5 $0x0;
	[sflag:s11] =	ssyncset.done @!p4 $0x0  }
0xc6: {  	s2 =	simm.s32 @!p5 $0x1BB00;
	[sflag:s11] =	ssyncadd.s32 @!p4 $0xFFFFC000;
	s11 =	sadd.s32 @!p5 $0x40, s8  }
0xc7: {  	s9 =	simm.s32 @!p5 $0x1;
	s20 =	sadd.s32 @!p5 $0x50, s8;
	_ =	swait.ge @!p1 [sflag:s21], $0x4000  }
0xc8: {  	s10 =	simm.s32 @!p5 $0x13A80;
	s8 =	simm.s32 @!p5 $0x80;
	[sflag:s21] =	ssyncset.done @!p1 $0x0  }
0xc9: {  	[sflag:s21] =	ssyncadd.s32 @!p1 $0xFFFFC000  }
0xca: {  	_ =	swait.ge @!p0 [sflag:s5], $0x80  }
0xcb: {  	s21 =	simm.s32 @!p0 $0x3;
	[sflag:s5] =	ssyncset.done @!p0 $0x0  }
0xcc: {  	[sflag:s5] =	ssyncadd.s32 @!p0 $0xFFFFFF80;
	s5 =	simm.s32 @!p3 $0x9  }
0xcd: {  	_ =	swait.ge @!p0 [sflag:s21], $0x80  }
0xce: {  	[sflag:s21] =	ssyncset.done @!p0 $0x0  }
0xcf: {  	[sflag:s21] =	ssyncadd.s32 @!p0 $0xFFFFFF80  }
0xd0: {  	_ =	swait.ge @!p3 [sflag:s5], $0x80  }
0xd1: {  	[sflag:s5] =	ssyncset.done @!p3 $0x0  }
0xd2: {  	[sflag:s5] =	ssyncadd.s32 @!p3 $0xFFFFFF80;
	s5 =	simm.s32 @!p3 $0x5  }
0xd3: {  	_ =	swait.ge @!p3 [sflag:s5], $0x80  }
0xd4: {  	[sflag:s5] =	ssyncset.done @!p3 $0x0  }
0xd5: {  	p6 =	sge.u32 s4, s15;
	[sflag:s5] =	ssyncadd.s32 @!p3 $0xFFFFFF80  }
0xd6: {  	[tilespmem:s2], [sflag:$0x8] =	stream.linear.gather @!p5 [hbm4b:s11+s12], $0x80, $0x38;
	[tilespmem:$0x1BC80] =	vst v63  }
0xd7: {  	s4 =	sadd.s32 @!p6 s3, s13;
	s5 =	simm.s32 @!p5 $0x13900  }
0xd8: {  	[tilespmem:s5], [sflag:$0x4] =	stream.linear.gather @!p5 [hbm4b:s20+s12], $0x80, $0x38;
	[tilespmem:$0x1BC80] =	vst v63  }
0xd9: {  	s11 =	simm.s32 @!p6 $0x1BC00;
	s12 =	sadd.s32 @!p6 $0x60, s4;
	s20 =	simm.s32 @!p6 $0x0  }
0xda: {  	[tilespmem:s11], [sflag:$0xA] =	stream.linear.gather @!p6 [hbm4b:s12+s20], $0x80, $0x38;
	[tilespmem:$0x1BC80] =	vst v63  }
0xdb: {  	s21 =	simm.s32 @!p0 $0x1;
	s12 =	sadd.s32 @!p6 $0x70, s4;
	s4 =	simm.s32 @!p6 $0x13A00  }
0xdc: {  	[tilespmem:s4], [sflag:$0x6] =	stream.linear.gather @!p6 [hbm4b:s12+s20], $0x80, $0x38;
	[tilespmem:$0x1BC80] =	vst v63  }
0xdd: {  	s22 =	simm.s32 @!p0 $0x13A80;
	s12 =	simm.s32 @!p0 $0x80;
	s20 =	simm.s32 @!p0 $0x1BA80  }
0xde: {  	[tilespmem:s22], [sflag:$0x1] =	stream.indirect.gather @!p0 [hbm4b:s17+s12], $0x80, s20, s12, $0xb8;
	[tilespmem:$0x1BC80] =	vst v63  }
0xdf: {  	s23 =	simm.s32 @!p3 $0x1BB80;
	s24 =	simm.s32 @!p3 $0x17A80;
	s20 =	simm.s32 @!p3 $0x80  }
0xe0: {  	[tilespmem:s24], [sflag:$0x2] =	stream.indirect.gather @!p3 [hbm4b:s17+s20], $0x80, s23, s20, $0xb8;
	[tilespmem:$0x1BC80] =	vst v63  }
0xe1: {  	s23 =	simm.s32 @!p0 $0x13880;
	_ =	swait.ge @!p0 [sflag:s21], $0x4000  }
0xe2: {  	[sflag:s21] =	ssyncset.done @!p0 $0x0  }
0xe3: {  	[sflag:s21] =	ssyncadd.s32 @!p0 $0xFFFFC000;
	s21 =	simm.s32 @!p3 $0x2  }
0xe4: {  	[spmem:s18] =	stream.indirect.scatter.add.f32 @!p0 [tilespmem:s22], [sflag:$0xB], $0x80, s23, s12, $0xb8;
	[tilespmem:$0x1BC80] =	vst v63  }
0xe5: {  	s12 =	simm.s32 @!p0 $0xB;
	_ =	swait.ge @!p3 [sflag:s21], $0x4000  }
0xe6: {  	[sflag:s21] =	ssyncset.done @!p3 $0x0  }
0xe7: {  	s22 =	simm.s32 @!p3 $0xC;
	[sflag:s21] =	ssyncadd.s32 @!p3 $0xFFFFC000;
	s21 =	simm.s32 @!p3 $0x13980  }
0xe8: {  	[spmem:s18] =	stream.indirect.scatter.add.f32 @!p3 [tilespmem:s24], [sflag:$0xC], $0x80, s21, s20, $0xb8;
	[tilespmem:$0x1BC80] =	vst v63  }
0xe9: {  	s21 =	simm.s32 @!p6 $0x6;
	s20 =	sadd.s32 $0xFFFFFFFF, s7;
	_ =	swait.ge @!p0 [sflag:s12], $0x4000  }
0xea: {  	s23 =	simm.s32 @!p5 $0x4;
	p1 =	sge.u32 s20, s15;
	[sflag:s12] =	ssyncset.done @!p0 $0x0  }
0xeb: {  	s20 =	sadd.s32 @!p1 s3, s13;
	s24 =	simm.s32 @!p1 $0x1BA80;
	[sflag:s12] =	ssyncadd.s32 @!p0 $0xFFFFC000  }
0xec: {  	s25 =	sadd.s32 @!p1 $0x80, s20;
	s12 =	simm.s32 @!p1 $0x0;
	_ =	swait.ge @!p3 [sflag:s22], $0x4000  }
0xed: {  	s20 =	sadd.s32 @!p1 $0x90, s20;
	[sflag:s22] =	ssyncset.done @!p3 $0x0  }
0xee: {  	[sflag:s22] =	ssyncadd.s32 @!p3 $0xFFFFC000;
	s22 =	simm.s32 @!p5 $0x8  }
0xef: {  	_ =	swait.ge @!p5 [sflag:s22], $0x80  }
0xf0: {  	[sflag:s22] =	ssyncset.done @!p5 $0x0  }
0xf1: {  	[sflag:s22] =	ssyncadd.s32 @!p5 $0xFFFFFF80  }
0xf2: {  	s22 =	simm.s32 @!p6 $0xA;
	_ =	swait.ge @!p5 [sflag:s23], $0x80  }
0xf3: {  	[sflag:s23] =	ssyncset.done @!p5 $0x0  }
0xf4: {  	[sflag:s23] =	ssyncadd.s32 @!p5 $0xFFFFFF80  }
0xf5: {  	_ =	swait.ge @!p6 [sflag:s22], $0x80  }
0xf6: {  	[sflag:s22] =	ssyncset.done @!p6 $0x0  }
0xf7: {  	[sflag:s22] =	ssyncadd.s32 @!p6 $0xFFFFFF80  }
.Ltmp1:
0xf8: {  	_ =	swait.ge @!p6 [sflag:s21], $0x80;
	(pc) =	sbr.rel @p2 .LBB2_4-.Ltmp1, $4  }
0xf9: {  	[sflag:s21] =	ssyncset.done @!p6 $0x0  }
0xfa: {  	[sflag:s21] =	ssyncadd.s32 @!p6 $0xFFFFFF80  }
0xfb: {  	[tilespmem:s24], [sflag:$0x7] =	stream.linear.gather @!p1 [hbm4b:s25+s12], $0x80, $0x38;
	[tilespmem:$0x1BC80] =	vst v63  }
0xfc: {  	p0 =	sge.u32 s7, s15;
	s7 =	smov.u32 s1;
	s21 =	simm.s32 @!p1 $0x13880  }
0xfd: {  	s1 =	sadd.s32 @!p0 s3, s13  }
0xfe: {  	[tilespmem:s21], [sflag:$0x3] =	stream.linear.gather @!p1 [hbm4b:s20+s12], $0x80, $0x38;
	[tilespmem:$0x1BC80] =	vst v63  }
0xff: {  	s6 =	simm.s32 @!p0 $0x0;
	s12 =	simm.s32 @!p0 $0x1BB80;
	s3 =	sadd.s32 @!p0 $0xA0, s1  }
0x100: {  	[tilespmem:s12], [sflag:$0x9] =	stream.linear.gather @!p0 [hbm4b:s3+s6], $0x80, $0x38;
	[tilespmem:$0x1BC80] =	vst v63  }
0x101: {  	s1 =	sadd.s32 @!p0 $0xB0, s1;
	s3 =	simm.s32 @!p0 $0x13980  }
0x102: {  	[tilespmem:s3], [sflag:$0x5] =	stream.linear.gather @!p0 [hbm4b:s1+s6], $0x80, $0x38;
	[tilespmem:$0x1BC80] =	vst v63  }
0x103: {  	_ = 	snop  }
0x104: {  	[tilespmem:s10], [sflag:$0x1] =	stream.indirect.gather @!p5 [hbm4b:s17+s8], $0x80, s2, s8, $0xb8;
	[tilespmem:$0x1BC80] =	vst v63  }
0x105: {  	s1 =	simm.s32 @!p6 $0x80;
	s2 =	simm.s32 @!p6 $0x17A80  }
0x106: {  	[tilespmem:s2], [sflag:$0x2] =	stream.indirect.gather @!p6 [hbm4b:s17+s1], $0x80, s11, s1, $0xb8;
	[tilespmem:$0x1BC80] =	vst v63  }
0x107: {  	_ =	swait.ge @!p5 [sflag:s9], $0x4000  }
0x108: {  	p0 =	seq.s32 s0, $0x0;
	[sflag:s9] =	ssyncset.done @!p5 $0x0  }
0x109: {  	s3 =	sadd.s32 $0xFFFFFFF9, s7;
	s6 =	simm.s32 @!p6 $0x2;
	[sflag:s9] =	ssyncadd.s32 @!p5 $0xFFFFC000  }
0x10a: {  	[spmem:s18] =	stream.indirect.scatter.add.f32 @!p5 [tilespmem:s10], [sflag:$0xB], $0x80, s5, s8, $0xb8;
	[tilespmem:$0x1BC80] =	vst v63  }
0x10b: {  	p1 =	sge.s32 @!p0 s3, s15;
	_ =	swait.ge @!p6 [sflag:s6], $0x4000  }
0x10c: {  	p1 =	por p1, p0;
	[sflag:s6] =	ssyncset.done @!p6 $0x0  }
0x10d: {  	s5 =	simm.s32 @!p1 $0xB;
	[sflag:s6] =	ssyncadd.s32 @!p6 $0xFFFFC000  }
0x10e: {  	[spmem:s18] =	stream.indirect.scatter.add.f32 @!p6 [tilespmem:s2], [sflag:$0xC], $0x80, s4, s1, $0xb8;
	[tilespmem:$0x1BC80] =	vst v63  }
0x10f: {  	p2 =	sge.s32 @!p0 s3, s19;
	_ =	swait.ge @!p1 [sflag:s5], $0x4000  }
0x110: {  	p0 =	por p2, p0;
	[sflag:s5] =	ssyncset.done @!p1 $0x0  }
0x111: {  	s1 =	simm.s32 @!p0 $0xC;
	[sflag:s5] =	ssyncadd.s32 @!p1 $0xFFFFC000  }
0x112: {  	s5 =	sadd.s32 $0xFFFFFFFB, s7;
	_ =	swait.ge @!p0 [sflag:s1], $0x4000  }
0x113: {  	p1 =	sge.u32 s5, s15;
	[sflag:s1] =	ssyncset.done @!p0 $0x0  }
0x114: {  	s3 =	simm.s32 @!p1 $0x7;
	[sflag:s1] =	ssyncadd.s32 @!p0 $0xFFFFC000  }
0x115: {  	_ =	swait.ge @!p1 [sflag:s3], $0x80  }
0x116: {  	[sflag:s3] =	ssyncset.done @!p1 $0x0  }
0x117: {  	s1 =	simm.s32 @!p1 $0x3;
	[sflag:s3] =	ssyncadd.s32 @!p1 $0xFFFFFF80  }
0x118: {  	_ =	swait.ge @!p1 [sflag:s1], $0x80  }
0x119: {  	p3 =	sge.u32 s5, s19;
	[sflag:s1] =	ssyncset.done @!p1 $0x0  }
0x11a: {  	s2 =	simm.s32 @!p3 $0x9;
	[sflag:s1] =	ssyncadd.s32 @!p1 $0xFFFFFF80  }
0x11b: {  	_ =	swait.ge @!p3 [sflag:s2], $0x80  }
0x11c: {  	s8 =	sadd.s32 $0xFFFFFFFE, s7;
	[sflag:s2] =	ssyncset.done @!p3 $0x0  }
0x11d: {  	s6 =	sadd.s32 $0xFFFFFFFD, s7;
	s1 =	simm.s32 @!p3 $0x5;
	[sflag:s2] =	ssyncadd.s32 @!p3 $0xFFFFFF80  }
0x11e: {  	p2 =	sge.u32 s8, s15;
	p0 =	sge.u32 s6, s15;
	_ =	swait.ge @!p3 [sflag:s1], $0x80  }
0x11f: {  	s4 =	sadd.s32 @!p0 s0, s13;
	s5 =	simm.s32 @!p0 $0x0;
	[sflag:s1] =	ssyncset.done @!p3 $0x0  }
0x120: {  	s6 =	sadd.s32 @!p0 $0x40, s4;
	s2 =	simm.s32 @!p0 $0x1BB00;
	[sflag:s1] =	ssyncadd.s32 @!p3 $0xFFFFFF80  }
0x121: {  	[tilespmem:s2], [sflag:$0x8] =	stream.linear.gather @!p0 [hbm4b:s6+s5], $0x80, $0x38;
	[tilespmem:$0x1BC80] =	vst v63  }
0x122: {  	s3 =	sadd.s32 @!p0 $0x50, s4;
	s1 =	simm.s32 @!p0 $0x13900;
	s6 =	sadd.s32 @!p2 s0, s13  }
0x123: {  	[tilespmem:s1], [sflag:$0x4] =	stream.linear.gather @!p0 [hbm4b:s3+s5], $0x80, $0x38;
	[tilespmem:$0x1BC80] =	vst v63  }
0x124: {  	s4 =	simm.s32 @!p2 $0x1BC00;
	s3 =	sadd.s32 @!p2 $0x60, s6;
	s5 =	simm.s32 @!p2 $0x0  }
0x125: {  	[tilespmem:s4], [sflag:$0xA] =	stream.linear.gather @!p2 [hbm4b:s3+s5], $0x80, $0x38;
	[tilespmem:$0x1BC80] =	vst v63  }
0x126: {  	s6 =	sadd.s32 @!p2 $0x70, s6;
	s3 =	simm.s32 @!p2 $0x13A00  }
0x127: {  	[tilespmem:s3], [sflag:$0x6] =	stream.linear.gather @!p2 [hbm4b:s6+s5], $0x80, $0x38;
	[tilespmem:$0x1BC80] =	vst v63  }
0x128: {  	s8 =	simm.s32 @!p1 $0x13A80;
	s5 =	simm.s32 @!p1 $0x80;
	s6 =	simm.s32 @!p1 $0x1BA80  }
0x129: {  	[tilespmem:s8], [sflag:$0x1] =	stream.indirect.gather @!p1 [hbm4b:s17+s5], $0x80, s6, s5, $0xb8;
	[tilespmem:$0x1BC80] =	vst v63  }
0x12a: {  	s9 =	simm.s32 @!p3 $0x1BB80;
	s10 =	simm.s32 @!p3 $0x17A80;
	s6 =	simm.s32 @!p3 $0x80  }
0x12b: {  	[tilespmem:s10], [sflag:$0x2] =	stream.indirect.gather @!p3 [hbm4b:s17+s6], $0x80, s9, s6, $0xb8;
	[tilespmem:$0x1BC80] =	vst v63  }
0x12c: {  	s9 =	simm.s32 @!p1 $0x1  }
0x12d: {  	_ =	swait.ge @!p1 [sflag:s9], $0x4000  }
0x12e: {  	[sflag:s9] =	ssyncset.done @!p1 $0x0  }
0x12f: {  	[sflag:s9] =	ssyncadd.s32 @!p1 $0xFFFFC000;
	s9 =	simm.s32 @!p1 $0x13880  }
0x130: {  	[spmem:s18] =	stream.indirect.scatter.add.f32 @!p1 [tilespmem:s8], [sflag:$0xB], $0x80, s9, s5, $0xb8;
	[tilespmem:$0x1BC80] =	vst v63  }
0x131: {  	s5 =	simm.s32 @!p3 $0x2  }
0x132: {  	_ =	swait.ge @!p3 [sflag:s5], $0x4000  }
0x133: {  	[sflag:s5] =	ssyncset.done @!p3 $0x0  }
0x134: {  	s8 =	simm.s32 @!p1 $0xB;
	[sflag:s5] =	ssyncadd.s32 @!p3 $0xFFFFC000;
	s5 =	simm.s32 @!p3 $0x13980  }
0x135: {  	[spmem:s18] =	stream.indirect.scatter.add.f32 @!p3 [tilespmem:s10], [sflag:$0xC], $0x80, s5, s6, $0xb8;
	[tilespmem:$0x1BC80] =	vst v63  }
0x136: {  	_ =	swait.ge @!p1 [sflag:s8], $0x4000  }
0x137: {  	[sflag:s8] =	ssyncset.done @!p1 $0x0  }
0x138: {  	s5 =	simm.s32 @!p3 $0xC;
	[sflag:s8] =	ssyncadd.s32 @!p1 $0xFFFFC000  }
0x139: {  	_ =	swait.ge @!p3 [sflag:s5], $0x4000  }
0x13a: {  	[sflag:s5] =	ssyncset.done @!p3 $0x0  }
0x13b: {  	[sflag:s5] =	ssyncadd.s32 @!p3 $0xFFFFC000;
	s5 =	simm.s32 @!p0 $0x8  }
0x13c: {  	_ =	swait.ge @!p0 [sflag:s5], $0x80  }
0x13d: {  	[sflag:s5] =	ssyncset.done @!p0 $0x0  }
0x13e: {  	s6 =	simm.s32 @!p0 $0x4;
	[sflag:s5] =	ssyncadd.s32 @!p0 $0xFFFFFF80  }
0x13f: {  	_ =	swait.ge @!p0 [sflag:s6], $0x80  }
0x140: {  	[sflag:s6] =	ssyncset.done @!p0 $0x0  }
0x141: {  	s5 =	simm.s32 @!p2 $0xA;
	[sflag:s6] =	ssyncadd.s32 @!p0 $0xFFFFFF80  }
0x142: {  	_ =	swait.ge @!p2 [sflag:s5], $0x80  }
0x143: {  	[sflag:s5] =	ssyncset.done @!p2 $0x0  }
0x144: {  	s9 =	sadd.s32 $0xFFFFFFFF, s7;
	s6 =	simm.s32 @!p2 $0x6;
	[sflag:s5] =	ssyncadd.s32 @!p2 $0xFFFFFF80  }
0x145: {  	p1 =	sge.u32 s9, s15;
	_ =	swait.ge @!p2 [sflag:s6], $0x80  }
0x146: {  	s8 =	simm.s32 @!p1 $0x1BA80;
	s5 =	sadd.s32 @!p1 s0, s13;
	[sflag:s6] =	ssyncset.done @!p2 $0x0  }
0x147: {  	s9 =	sadd.s32 @!p1 $0x80, s5;
	[sflag:s6] =	ssyncadd.s32 @!p2 $0xFFFFFF80;
	s6 =	simm.s32 @!p1 $0x0  }
0x148: {  	[tilespmem:s8], [sflag:$0x7] =	stream.linear.gather @!p1 [hbm4b:s9+s6], $0x80, $0x38;
	[tilespmem:$0x1BC80] =	vst v63  }
0x149: {  	s5 =	sadd.s32 @!p1 $0x90, s5;
	s8 =	simm.s32 @!p1 $0x13880  }
0x14a: {  	[tilespmem:s8], [sflag:$0x3] =	stream.linear.gather @!p1 [hbm4b:s5+s6], $0x80, $0x38;
	[tilespmem:$0x1BC80] =	vst v63  }
0x14b: {  	p1 =	sge.u32 s7, s15  }
0x14c: {  	s0 =	sadd.s32 @!p1 s0, s13  }
0x14d: {  	s6 =	simm.s32 @!p1 $0x0;
	s7 =	simm.s32 @!p1 $0x1BB80;
	s5 =	sadd.s32 @!p1 $0xA0, s0  }
0x14e: {  	[tilespmem:s7], [sflag:$0x9] =	stream.linear.gather @!p1 [hbm4b:s5+s6], $0x80, $0x38;
	[tilespmem:$0x1BC80] =	vst v63  }
0x14f: {  	s0 =	sadd.s32 @!p1 $0xB0, s0;
	s5 =	simm.s32 @!p1 $0x13980  }
0x150: {  	[tilespmem:s5], [sflag:$0x5] =	stream.linear.gather @!p1 [hbm4b:s0+s6], $0x80, $0x38;
	[tilespmem:$0x1BC80] =	vst v63  }
0x151: {  	s0 =	simm.s32 @!p0 $0x80;
	s5 =	simm.s32 @!p0 $0x13A80  }
0x152: {  	[tilespmem:s5], [sflag:$0x1] =	stream.indirect.gather @!p0 [hbm4b:s17+s0], $0x80, s2, s0, $0xb8;
	[tilespmem:$0x1BC80] =	vst v63  }
0x153: {  	s6 =	simm.s32 @!p2 $0x17A80;
	s2 =	simm.s32 @!p2 $0x80  }
0x154: {  	[tilespmem:s6], [sflag:$0x2] =	stream.indirect.gather @!p2 [hbm4b:s17+s2], $0x80, s4, s2, $0xb8;
	[tilespmem:$0x1BC80] =	vst v63  }
0x155: {  	s4 =	simm.s32 @!p0 $0x1  }
0x156: {  	_ =	swait.ge @!p0 [sflag:s4], $0x4000  }
0x157: {  	[sflag:s4] =	ssyncset.done @!p0 $0x0  }
0x158: {  	[sflag:s4] =	ssyncadd.s32 @!p0 $0xFFFFC000  }
0x159: {  	[spmem:s18] =	stream.indirect.scatter.add.f32 @!p0 [tilespmem:s5], [sflag:$0xB], $0x80, s1, s0, $0xb8;
	[tilespmem:$0x1BC80] =	vst v63  }
0x15a: {  	s0 =	simm.s32 @!p2 $0x2  }
0x15b: {  	_ =	swait.ge @!p2 [sflag:s0], $0x4000  }
0x15c: {  	[sflag:s0] =	ssyncset.done @!p2 $0x0;
	s10 =	sld [smem:$0x7FB]  }
0x15d: {  	[sflag:s0] =	ssyncadd.s32 @!p2 $0xFFFFC000  }
0x15e: {  	[spmem:s18] =	stream.indirect.scatter.add.f32 @!p2 [tilespmem:s6], [sflag:$0xC], $0x80, s3, s2, $0xb8;
	[tilespmem:$0x1BC80] =	vst v63  }
0x15f: {  	p0 =	seq.s32 s10, $0x1  }
0x160: {  	s0 =	simm.s32 @!p0 $0xB  }
0x161: {  	_ =	swait.ge @!p0 [sflag:s0], $0x4000  }
0x162: {  	[sflag:s0] =	ssyncset.done @!p0 $0x0  }
0x163: {  	s11 =	stileid.u32;
	[sflag:s0] =	ssyncadd.s32 @!p0 $0xFFFFC000  }
0x164: {  	s0 =	sshll.u32 s11, $0x6;
	[bflag:$0x0] =	sbarrier.arrive $0xFFFF  }
0x165: {  	s12 =	sshrl.u32 s26, $0x3;
	s0 =	sor.u32 $0x1C0B, s0;
	s20 =	rddreg [dreg:$0x6]  }
0x166: {  	[hbm:s20], [sflag:s0] =	dma.local [spmem:s12], $0x500  }
0x167: {  	s21 =	sshrl.u32 s28, $0x3;
	s2 =	rddreg [dreg:$0x7]  }
0x168: {  	[hbm:s2], [sflag:s0] =	dma.local [spmem:s21], $0x500  }
0x169: {  	s22 =	sshrl.u32 s29, $0x3;
	s2 =	rddreg [dreg:$0x8]  }
0x16a: {  	[hbm:s2], [sflag:s0] =	dma.local [spmem:s22], $0x500  }
0x16b: {  	s5 =	rddreg [dreg:$0x12]  }
0x16c: {  	s2 =	rddreg [dreg:$0x9];
	s23 =	sshrl.u32 s5, $0x3  }
0x16d: {  	[hbm:s2], [sflag:s0] =	dma.local [spmem:s23], $0x500  }
0x16e: {  	s4 =	rddreg [dreg:$0x13]  }
0x16f: {  	s2 =	rddreg [dreg:$0xa];
	s24 =	sshrl.u32 s4, $0x3  }
0x170: {  	[hbm:s2], [sflag:s0] =	dma.local [spmem:s24], $0x500  }
0x171: {  	s3 =	rddreg [dreg:$0x14]  }
0x172: {  	s2 =	rddreg [dreg:$0xb];
	s25 =	sshrl.u32 s3, $0x3  }
0x173: {  	[hbm:s2], [sflag:s0] =	dma.local [spmem:s25], $0x500  }
0x174: {  	s10 =	rddreg [dreg:$0x15]  }
0x175: {  	s6 =	smov.u32 s26;
	s2 =	rddreg [dreg:$0xc];
	s26 =	sshrl.u32 s10, $0x3  }
0x176: {  	[hbm:s2], [sflag:s0] =	dma.local [spmem:s26], $0x500  }
0x177: {  	s1 =	sld [smem:$0x7FC];
	_ =	sdelay $0x2  }
0x178: {  	s11 =	rddreg [dreg:$0x16];
	p1 =	seq.s32 s1, $0x1  }
0x179: {  	s2 =	rddreg [dreg:$0xd];
	s1 =	sshrl.u32 @!p1 s11, $0x3  }
0x17a: {  	[hbm:s2], [sflag:s0] =	dma.local @!p1 [spmem:s1], $0x500  }
0x17b: {  	_ =	swait.ge [sflag:s16], $0x500  }
0x17c: {  	[sflag:s16] =	ssyncset.done $0x0  }
0x17d: {  	[sflag:s16] =	ssyncadd.s32 $0xFFFFFB00  }
0x17e: {  	_ =	swait.ge [sflag:s16], $0x500  }
0x17f: {  	[sflag:s16] =	ssyncset.done $0x0  }
0x180: {  	[sflag:s16] =	ssyncadd.s32 $0xFFFFFB00  }
0x181: {  	_ =	swait.ge [sflag:s16], $0x500  }
0x182: {  	[sflag:s16] =	ssyncset.done $0x0  }
0x183: {  	[sflag:s16] =	ssyncadd.s32 $0xFFFFFB00  }
0x184: {  	_ =	swait.ge [sflag:s16], $0x500  }
0x185: {  	[sflag:s16] =	ssyncset.done $0x0  }
0x186: {  	[sflag:s16] =	ssyncadd.s32 $0xFFFFFB00  }
0x187: {  	_ =	swait.ge [sflag:s16], $0x500  }
0x188: {  	[sflag:s16] =	ssyncset.done $0x0  }
0x189: {  	[sflag:s16] =	ssyncadd.s32 $0xFFFFFB00  }
0x18a: {  	_ =	swait.ge [sflag:s16], $0x500  }
0x18b: {  	[sflag:s16] =	ssyncset.done $0x0  }
0x18c: {  	[sflag:s16] =	ssyncadd.s32 $0xFFFFFB00  }
0x18d: {  	_ =	swait.ge [sflag:s16], $0x500  }
0x18e: {  	s9 =	smov.u32 s28;
	s28 =	sld [smem:$0x7FD];
	_ =	sdelay $0x2  }
0x18f: {  	[sflag:s16] =	ssyncset.done $0x0;
	p2 =	seq.s32 s28, $0x1  }
0x190: {  	[sflag:s16] =	ssyncadd.s32 $0xFFFFFB00;
	s0 =	simm.s32 @!p2 $0xB  }
0x191: {  	_ =	swait.ge @!p2 [sflag:s0], $0x500  }
0x192: {  	s14 =	sadd.s32 $0x1, s14;
	s7 =	smov.u32 s29;
	s29 =	rddreg [dreg:$0x11]  }
0x193: {  	p0 =	sne.s32 s14, s29  }
.Ltmp2:
0x194: {  	_ = 	snop;
	(pc) =	sbr.rel @p0 .LBB2_1-.Ltmp2, $3  }
0x195: {  	_ =	sdelay $0x1  }
0x196: {  	[sflag:s0] =	ssyncset.done @!p2 $0x0  }
0x197: {  	[sflag:s0] =	ssyncadd.s32 @!p2 $0xFFFFFB00  }
0x198: {  	_ =	sfence.sel $0x180000  }
0x199: {  	[bflag:$0x0] =	sbarrier.arrive $0xFFFF  }
0x19a: {  	_ =	strace $0x90000047  }
0x19b: {  	s0 =	stileid.u32;
	[bflag:$0x2] =	sbarrier.arrive $0xFFFF  }
0x19c: {  	p0 =	sne.s32 s0, $0x0;
	s0 =	rddreg [dreg:$0x4]  }
0x19d: {  	s0 =	sadd.s32 @!p0 $0x100000, s0  }
0x19e: {  	[sflag:s0] =	ssyncadd.tile.s32 @!p0 $0x1;
	_ =	shalt  }
.Lfunc_end2:
_tile_overlayer_lowered:
.L_overlay_start_2:
0x19f: {  	(tag) =	ssettag $0x2  }
0x1a0: {  	s0 =	rddreg [dreg:$0x0];
	s2 =	stileid.u32  }
0x1a1: {  	s1 =	rddreg [dreg:$0x1];
	p0 =	sne.s32 s2, $0x0  }
0x1a2: {  	s3 =	rddreg [dreg:$0x2];
	[bflag:$0x3] =	sbarrier.arrive $0xFFFF;
	s2 =	simm.s32 @!p0 $0x1C0D  }
0x1a3: {  	[timem:s3], [sflag:s2] =	dma.local @!p0 [hbm:s0], s1  }
0x1a4: {  	s0 =	simm.s32 @!p0 $0xD  }
0x1a5: {  	_ =	swait.ge @!p0 [sflag:s0], s1  }
0x1a6: {  	s1 =	ssub.s32 @!p0 $0x0, s1;
	[sflag:s0] =	ssyncset.done @!p0 $0x0  }
0x1a7: {  	[sflag:s0] =	ssyncadd.s32 @!p0 s1  }
0x1a8: {  	[bflag:$0x3] =	sbarrier.arrive $0xFFFF  }
0x1a9: {  	_ =	shalt  }

</sc_bundles>
